<compile_context>
chip_gen: v7x
topology: tpu7x:2x2x1
jax: 0.10.2.dev20260603
libtpu: 0.0.44.dev20260713+nightly
codegen_flags: <defaults>
</compile_context>

<pallas_src>
import jax
import jax.numpy as jnp
from jax import lax
from jax.experimental import pallas as pl
from jax.experimental.pallas import tpu as pltpu
from jax.experimental.pallas import tpu_sc as plsc

N_WORDS = 100000
DIM = 128
BATCH = 4096
SEQ = 50

NC = 2
NS = 16
NW = NC * NS

ROWS_PER_W = BATCH // NW
CR = 64
CPS = ROWS_PER_W // CR
NCHUNK = SEQ * CPS
NBUF = 10
NGROUP = NCHUNK // NBUF


def _emb_body(idx_hbm, table_hbm, out_hbm, idx_v, rows_v, *sems):
  gsems = sems[:NBUF]
  wsems = sems[NBUF:]
  wid = lax.axis_index("s") * NC + lax.axis_index("c")
  b0 = wid * ROWS_PER_W

  pltpu.sync_copy(idx_hbm.at[wid], idx_v)

  @pl.loop(0, NGROUP)
  def _group(g):
    c0 = g * NBUF
    for b in range(NBUF):
      @pl.when(g > 0)
      def _():
        pltpu.make_async_copy(
            rows_v.at[b], out_hbm.at[0, pl.ds(b0, CR)], wsems[b]).wait()
      c = c0 + b
      pltpu.async_copy(
          table_hbm.at[idx_v.at[c // CPS, pl.ds((c % CPS) * CR, CR)]],
          rows_v.at[b], gsems[b])
    for b in range(NBUF):
      c = c0 + b
      pltpu.make_async_copy(
          table_hbm.at[idx_v.at[c // CPS, pl.ds((c % CPS) * CR, CR)]],
          rows_v.at[b], gsems[b]).wait()
      pltpu.async_copy(
          rows_v.at[b],
          out_hbm.at[c // CPS, pl.ds(b0 + (c % CPS) * CR, CR)], wsems[b])

  for b in range(NBUF):
    pltpu.make_async_copy(
        rows_v.at[b], out_hbm.at[0, pl.ds(b0, CR)], wsems[b]).wait()


@jax.jit
def _embed(idx3d, table):
  mesh = plsc.VectorSubcoreMesh(
      core_axis_name="c", subcore_axis_name="s", num_cores=NC,
      num_subcores=NS)
  scratch = [
      pltpu.VMEM((SEQ, ROWS_PER_W), jnp.int32),
      pltpu.VMEM((NBUF, CR, DIM), jnp.float32),
  ] + [pltpu.SemaphoreType.DMA] * (2 * NBUF)
  run = pl.kernel(
      _emb_body,
      out_type=jax.ShapeDtypeStruct((SEQ, BATCH, DIM), jnp.float32),
      mesh=mesh,
      scratch_types=scratch,
  )
  return run(idx3d, table)


def kernel(inputs, wordEmbed):
  idx3d = inputs.reshape(NW, ROWS_PER_W, SEQ).transpose(0, 2, 1)
  idx3d = idx3d.astype(jnp.int32)
  out_phys = _embed(idx3d, wordEmbed)
  return out_phys.transpose(1, 0, 2)

# --- scband reference (transcript-rebuilt; emitter-appended) ---
"""Pipeline reference for scband-word-embeding-90855738179987 (READ-ONLY COPY).

The authoritative reference and input builder live on the scoring server;
editing this copy changes nothing except your own understanding.
"""

import jax, jax.numpy as jnp
import numpy as np

N_WORDS = 100000
DIM_HIDDEN = 128

def setup_inputs(seed: int = 0) -> dict:
    key = jax.random.key(seed)
    k_idx, k_tab = jax.random.split(key)
    inputs = jax.random.randint(k_idx, (4096, 50), 0, N_WORDS, dtype=jnp.int64 if jax.config.jax_enable_x64 else jnp.int32)
    wordEmbed = jax.random.uniform(k_tab, (N_WORDS, DIM_HIDDEN), minval=-0.1, maxval=0.1, dtype=jnp.float32)
    return {"inputs": inputs, "wordEmbed": wordEmbed}

def reference(inputs, wordEmbed):
    # tf.nn.embedding_lookup(table, ids) == table[ids]
    out = jnp.take(wordEmbed, inputs, axis=0)
    return out

if __name__ == "__main__":
    import jax
    _d = setup_inputs()
    print(jax.jit(kernel)(*tuple(_d.values())))

</pallas_src>

<mosaic_0001>
#map = affine_map<(d0, d1) -> (0, 0, 0)>
#map1 = affine_map<(d0, d1) -> (0, 0)>
module attributes {stable_mosaic.version = 14 : i64} {
  func.func @_emb_body(%arg0: i32, %arg1: i32, %arg2: memref<32x50x128xi32, #tpu.memory_space<hbm>>, %arg3: memref<100000x128xf32, #tpu.memory_space<hbm>>, %arg4: memref<50x4096x128xf32, #tpu.memory_space<hbm>>, %arg5: memref<50x128xi32, #tpu.memory_space<vmem>>, %arg6: memref<10x64x128xf32, #tpu.memory_space<vmem>>, %arg7: memref<!tpu.dma_semaphore, #tpu.memory_space<semaphore_mem>>, %arg8: memref<!tpu.dma_semaphore, #tpu.memory_space<semaphore_mem>>, %arg9: memref<!tpu.dma_semaphore, #tpu.memory_space<semaphore_mem>>, %arg10: memref<!tpu.dma_semaphore, #tpu.memory_space<semaphore_mem>>, %arg11: memref<!tpu.dma_semaphore, #tpu.memory_space<semaphore_mem>>, %arg12: memref<!tpu.dma_semaphore, #tpu.memory_space<semaphore_mem>>, %arg13: memref<!tpu.dma_semaphore, #tpu.memory_space<semaphore_mem>>, %arg14: memref<!tpu.dma_semaphore, #tpu.memory_space<semaphore_mem>>, %arg15: memref<!tpu.dma_semaphore, #tpu.memory_space<semaphore_mem>>, %arg16: memref<!tpu.dma_semaphore, #tpu.memory_space<semaphore_mem>>, %arg17: memref<!tpu.dma_semaphore, #tpu.memory_space<semaphore_mem>>, %arg18: memref<!tpu.dma_semaphore, #tpu.memory_space<semaphore_mem>>, %arg19: memref<!tpu.dma_semaphore, #tpu.memory_space<semaphore_mem>>, %arg20: memref<!tpu.dma_semaphore, #tpu.memory_space<semaphore_mem>>, %arg21: memref<!tpu.dma_semaphore, #tpu.memory_space<semaphore_mem>>, %arg22: memref<!tpu.dma_semaphore, #tpu.memory_space<semaphore_mem>>, %arg23: memref<!tpu.dma_semaphore, #tpu.memory_space<semaphore_mem>>, %arg24: memref<!tpu.dma_semaphore, #tpu.memory_space<semaphore_mem>>, %arg25: memref<!tpu.dma_semaphore, #tpu.memory_space<semaphore_mem>>, %arg26: memref<!tpu.dma_semaphore, #tpu.memory_space<semaphore_mem>>) attributes {dimension_semantics = [#tpu.dimension_semantics<core_parallel>, #tpu.dimension_semantics<subcore_parallel>], iteration_bounds = array<i64: 2, 16>, scalar_prefetch = 0 : i64, scratch_operands = 22 : i64, tpu.core_type = #tpu.core_type<sc_vector_subcore>, window_params = [{transform_indices = #map}, {transform_indices = #map1}, {transform_indices = #map}]} {
    %mul3A = arith.constant 2 : i32
    %mul3A_0 = arith.muli %arg1, %mul3A : i32
    %add3A = arith.addi %mul3A_0, %arg0 : i32
    %mul3A_1 = arith.constant 128 : i32
    %mul3A_2 = arith.muli %add3A, %mul3A_1 : i32
    "tpu.region"() ({
      %run_scoped3A = tpu.sem_alloc : memref<!tpu.dma_semaphore, #tpu.memory_space<semaphore_mem>>
      %dma_start3A = arith.constant 0 : i32
      %dma_start3A_166 = arith.constant 0 : i32
      %dma_start3A_167 = tpu.memref_slice %arg2[%add3A, %dma_start3A, %dma_start3A_166] : memref<32x50x128xi32, #tpu.memory_space<hbm>> -> memref<1x50x128xi32, #tpu.memory_space<hbm>>
      %dma_start3A_168 = tpu.memref_squeeze %dma_start3A_167 : memref<1x50x128xi32, #tpu.memory_space<hbm>> -> memref<50x128xi32, #tpu.memory_space<hbm>>
      %dma_start3A_169 = arith.constant 0 : i32
      %dma_start3A_170 = arith.constant 0 : i32
      %dma_start3A_171 = tpu.memref_slice %arg2[%add3A, %dma_start3A_169, %dma_start3A_170] : memref<32x50x128xi32, #tpu.memory_space<hbm>> -> memref<1x50x128xi32, #tpu.memory_space<hbm>>
      %dma_start3A_172 = tpu.memref_squeeze %dma_start3A_171 : memref<1x50x128xi32, #tpu.memory_space<hbm>> -> memref<50x128xi32, #tpu.memory_space<hbm>>
      tpu.enqueue_dma source(%dma_start3A_172 : memref<50x128xi32, #tpu.memory_space<hbm>>) target(%arg5 : memref<50x128xi32, #tpu.memory_space<vmem>>) target_semaphore(%run_scoped3A : memref<!tpu.dma_semaphore, #tpu.memory_space<semaphore_mem>>)
      %dma_wait3A_173 = arith.constant 0 : i32
      %dma_wait3A_174 = arith.constant 0 : i32
      %dma_wait3A_175 = tpu.memref_slice %arg2[%add3A, %dma_wait3A_173, %dma_wait3A_174] : memref<32x50x128xi32, #tpu.memory_space<hbm>> -> memref<1x50x128xi32, #tpu.memory_space<hbm>>
      %dma_wait3A_176 = tpu.memref_squeeze %dma_wait3A_175 : memref<1x50x128xi32, #tpu.memory_space<hbm>> -> memref<50x128xi32, #tpu.memory_space<hbm>>
      %dma_wait3A_177 = arith.constant 0 : i32
      %dma_wait3A_178 = arith.constant 0 : i32
      %dma_wait3A_179 = tpu.memref_slice %arg2[%add3A, %dma_wait3A_177, %dma_wait3A_178] : memref<32x50x128xi32, #tpu.memory_space<hbm>> -> memref<1x50x128xi32, #tpu.memory_space<hbm>>
      %dma_wait3A_180 = tpu.memref_squeeze %dma_wait3A_179 : memref<1x50x128xi32, #tpu.memory_space<hbm>> -> memref<50x128xi32, #tpu.memory_space<hbm>>
      tpu.wait_dma2 semaphore(%run_scoped3A : memref<!tpu.dma_semaphore, #tpu.memory_space<semaphore_mem>>) src(%dma_wait3A_180 : memref<50x128xi32, #tpu.memory_space<hbm>>) dst(%arg5 : memref<50x128xi32, #tpu.memory_space<vmem>>)
      tpu.yield
    }) : () -> ()
    %scan3A = arith.constant 0 : i32
    %scan3A_3 = arith.constant 10 : i32
    %scan3A_4 = arith.addi %scan3A, %scan3A_3 : i32
    %scan3A_5 = arith.constant 1 : i32
    scf.for %scan3A_166 = %scan3A to %scan3A_4 step %scan3A_5  : i32 {
      %mul3A_167 = arith.constant 1 : i32
      %mul3A_168 = arith.muli %scan3A_166, %mul3A_167 : i32
      %add3A_169 = arith.constant 0 : i32
      %add3A_170 = arith.addi %add3A_169, %mul3A_168 : i32
      %mul3A_171 = arith.constant 10 : i32
      %mul3A_172 = arith.muli %add3A_170, %mul3A_171 : i32
      %gt3A = arith.constant 0 : i32
      %gt3A_173 = arith.cmpi sgt, %add3A_170, %gt3A : i32
      %convert_element_type3A = arith.extui %gt3A_173 : i1 to i32
      %cond3A = arith.constant 0 : i32
      %cond3A_174 = arith.cmpi ne, %convert_element_type3A, %cond3A : i32
      scf.if %cond3A_174 {
        %dma_wait3A_1869 = arith.constant 0 : i32
        %dma_wait3A_1870 = arith.constant 0 : i32
        %dma_wait3A_1871 = arith.constant 0 : i32
        %dma_wait3A_1872 = arith.constant 0 : i32
        %dma_wait3A_1873 = tpu.memref_slice %arg6[%dma_wait3A_1869, %dma_wait3A_1871, %dma_wait3A_1872] : memref<10x64x128xf32, #tpu.memory_space<vmem>> -> memref<1x64x128xf32, #tpu.memory_space<vmem>>
        %dma_wait3A_1874 = tpu.memref_squeeze %dma_wait3A_1873 : memref<1x64x128xf32, #tpu.memory_space<vmem>> -> memref<64x128xf32, #tpu.memory_space<vmem>>
        %dma_wait3A_1875 = arith.constant 0 : i32
        %dma_wait3A_1876 = tpu.memref_slice %arg4[%dma_wait3A_1870, %mul3A_2, %dma_wait3A_1875] : memref<50x4096x128xf32, #tpu.memory_space<hbm>> -> memref<1x64x128xf32, #tpu.memory_space<hbm>>
        %dma_wait3A_1877 = tpu.memref_squeeze %dma_wait3A_1876 : memref<1x64x128xf32, #tpu.memory_space<hbm>> -> memref<64x128xf32, #tpu.memory_space<hbm>>
        %dma_wait3A_1878 = arith.constant 0 : i32
        %dma_wait3A_1879 = tpu.memref_slice %arg4[%dma_wait3A_1870, %mul3A_2, %dma_wait3A_1878] : memref<50x4096x128xf32, #tpu.memory_space<hbm>> -> memref<1x64x128xf32, #tpu.memory_space<hbm>>
        %dma_wait3A_1880 = tpu.memref_squeeze %dma_wait3A_1879 : memref<1x64x128xf32, #tpu.memory_space<hbm>> -> memref<64x128xf32, #tpu.memory_space<hbm>>
        %dma_wait3A_1881 = arith.constant 0 : i32
        %dma_wait3A_1882 = arith.constant 0 : i32
        %dma_wait3A_1883 = tpu.memref_slice %arg6[%dma_wait3A_1869, %dma_wait3A_1881, %dma_wait3A_1882] : memref<10x64x128xf32, #tpu.memory_space<vmem>> -> memref<1x64x128xf32, #tpu.memory_space<vmem>>
        %dma_wait3A_1884 = tpu.memref_squeeze %dma_wait3A_1883 : memref<1x64x128xf32, #tpu.memory_space<vmem>> -> memref<64x128xf32, #tpu.memory_space<vmem>>
        tpu.wait_dma2 semaphore(%arg17 : memref<!tpu.dma_semaphore, #tpu.memory_space<semaphore_mem>>) src(%dma_wait3A_1884 : memref<64x128xf32, #tpu.memory_space<vmem>>) dst(%dma_wait3A_1880 : memref<64x128xf32, #tpu.memory_space<hbm>>)
      } else {
      }
      %add3A_175 = arith.constant 0 : i32
      %add3A_176 = arith.addi %mul3A_172, %add3A_175 : i32
      %jit3A = arith.constant 2 : i32
      %div3A = arith.divsi %add3A_176, %jit3A : i32
      %sign3A = arith.constant 0 : i32
      %sign3A_177 = arith.cmpi sgt, %add3A_176, %sign3A : i32
      %sign3A_178 = arith.extui %sign3A_177 : i1 to i32
      %sign3A_179 = arith.constant 0 : i32
      %sign3A_180 = arith.cmpi slt, %add3A_176, %sign3A_179 : i32
      %sign3A_181 = arith.extui %sign3A_180 : i1 to i32
      %sign3A_182 = arith.subi %sign3A_178, %sign3A_181 : i32
      %sign3A_183 = arith.constant 0 : i32
      %sign3A_184 = arith.cmpi sgt, %jit3A, %sign3A_183 : i32
      %sign3A_185 = arith.extui %sign3A_184 : i1 to i32
      %sign3A_186 = arith.constant 0 : i32
      %sign3A_187 = arith.cmpi slt, %jit3A, %sign3A_186 : i32
      %sign3A_188 = arith.extui %sign3A_187 : i1 to i32
      %sign3A_189 = arith.subi %sign3A_185, %sign3A_188 : i32
      %ne3A = arith.cmpi ne, %sign3A_182, %sign3A_189 : i32
      %rem3A = arith.remsi %add3A_176, %jit3A : i32
      %ne3A_190 = arith.constant 0 : i32
      %ne3A_191 = arith.cmpi ne, %rem3A, %ne3A_190 : i32
      %and3A = arith.andi %ne3A, %ne3A_191 : i1
      %sub3A = arith.constant 1 : i32
      %sub3A_192 = arith.subi %div3A, %sub3A : i32
      %select_n3A = arith.select %and3A, %sub3A_192, %div3A : i32
      %jit3A_193 = arith.constant 2 : i32
      %eq3A = arith.constant 0 : i32
      %eq3A_194 = arith.cmpi eq, %jit3A_193, %eq3A : i32
      %jit3A_195 = arith.constant 1 : i32
      %select_n3A_196 = arith.select %eq3A_194, %jit3A_195, %jit3A_193 : i32
      %rem3A_197 = arith.remsi %add3A_176, %select_n3A_196 : i32
      %ne3A_198 = arith.constant 0 : i32
      %ne3A_199 = arith.cmpi ne, %rem3A_197, %ne3A_198 : i32
      %lt3A = arith.constant 0 : i32
      %lt3A_200 = arith.cmpi slt, %rem3A_197, %lt3A : i32
      %lt3A_201 = arith.constant 0 : i32
      %lt3A_202 = arith.cmpi slt, %select_n3A_196, %lt3A_201 : i32
      %ne3A_203 = arith.xori %lt3A_200, %lt3A_202 : i1
      %and3A_204 = arith.andi %ne3A_203, %ne3A_199 : i1
      %add3A_205 = arith.addi %rem3A_197, %select_n3A_196 : i32
      %select_n3A_206 = arith.select %and3A_204, %add3A_205, %rem3A_197 : i32
      %mul3A_207 = arith.constant 64 : i32
      %mul3A_208 = arith.muli %select_n3A_206, %mul3A_207 : i32
      %dma_start3A = arith.constant 0 : i32
      %dma_start3A_209 = arith.constant 0 : i32
      %dma_start3A_210 = arith.constant 0 : i32
      %dma_start3A_211 = tpu.memref_slice %arg6[%dma_start3A, %dma_start3A_209, %dma_start3A_210] : memref<10x64x128xf32, #tpu.memory_space<vmem>> -> memref<1x64x128xf32, #tpu.memory_space<vmem>>
      %dma_start3A_212 = tpu.memref_squeeze %dma_start3A_211 : memref<1x64x128xf32, #tpu.memory_space<vmem>> -> memref<64x128xf32, #tpu.memory_space<vmem>>
      %dma_start3A_213 = tpu.memref_slice %arg5[%select_n3A, %mul3A_208] : memref<50x128xi32, #tpu.memory_space<vmem>> -> memref<1x64xi32, #tpu.memory_space<vmem>>
      %dma_start3A_214 = tpu.memref_squeeze %dma_start3A_213 : memref<1x64xi32, #tpu.memory_space<vmem>> -> memref<64xi32, #tpu.memory_space<vmem>>
      %dma_start3A_215 = arith.constant 0 : i32
      %dma_start3A_216 = arith.constant 0 : i32
      %dma_start3A_217 = tpu.memref_slice %arg3[%dma_start3A_215, %dma_start3A_216] : memref<100000x128xf32, #tpu.memory_space<hbm>> -> memref<100000x128xf32, #tpu.memory_space<hbm>>
      tpu.enqueue_indirect_dma source(%dma_start3A_217 : memref<100000x128xf32, #tpu.memory_space<hbm>>) target(%dma_start3A_212 : memref<64x128xf32, #tpu.memory_space<vmem>>) offsets(%dma_start3A_214 : memref<64xi32, #tpu.memory_space<vmem>>) semaphore(%arg7 : memref<!tpu.dma_semaphore, #tpu.memory_space<semaphore_mem>>)
      %gt3A_218 = arith.constant 0 : i32
      %gt3A_219 = arith.cmpi sgt, %add3A_170, %gt3A_218 : i32
      %convert_element_type3A_220 = arith.extui %gt3A_219 : i1 to i32
      %cond3A_221 = arith.constant 0 : i32
      %cond3A_222 = arith.cmpi ne, %convert_element_type3A_220, %cond3A_221 : i32
      scf.if %cond3A_222 {
        %dma_wait3A_1869 = arith.constant 1 : i32
        %dma_wait3A_1870 = arith.constant 0 : i32
        %dma_wait3A_1871 = arith.constant 0 : i32
        %dma_wait3A_1872 = arith.constant 0 : i32
        %dma_wait3A_1873 = tpu.memref_slice %arg6[%dma_wait3A_1869, %dma_wait3A_1871, %dma_wait3A_1872] : memref<10x64x128xf32, #tpu.memory_space<vmem>> -> memref<1x64x128xf32, #tpu.memory_space<vmem>>
        %dma_wait3A_1874 = tpu.memref_squeeze %dma_wait3A_1873 : memref<1x64x128xf32, #tpu.memory_space<vmem>> -> memref<64x128xf32, #tpu.memory_space<vmem>>
        %dma_wait3A_1875 = arith.constant 0 : i32
        %dma_wait3A_1876 = tpu.memref_slice %arg4[%dma_wait3A_1870, %mul3A_2, %dma_wait3A_1875] : memref<50x4096x128xf32, #tpu.memory_space<hbm>> -> memref<1x64x128xf32, #tpu.memory_space<hbm>>
        %dma_wait3A_1877 = tpu.memref_squeeze %dma_wait3A_1876 : memref<1x64x128xf32, #tpu.memory_space<hbm>> -> memref<64x128xf32, #tpu.memory_space<hbm>>
        %dma_wait3A_1878 = arith.constant 0 : i32
        %dma_wait3A_1879 = tpu.memref_slice %arg4[%dma_wait3A_1870, %mul3A_2, %dma_wait3A_1878] : memref<50x4096x128xf32, #tpu.memory_space<hbm>> -> memref<1x64x128xf32, #tpu.memory_space<hbm>>
        %dma_wait3A_1880 = tpu.memref_squeeze %dma_wait3A_1879 : memref<1x64x128xf32, #tpu.memory_space<hbm>> -> memref<64x128xf32, #tpu.memory_space<hbm>>
        %dma_wait3A_1881 = arith.constant 0 : i32
        %dma_wait3A_1882 = arith.constant 0 : i32
        %dma_wait3A_1883 = tpu.memref_slice %arg6[%dma_wait3A_1869, %dma_wait3A_1881, %dma_wait3A_1882] : memref<10x64x128xf32, #tpu.memory_space<vmem>> -> memref<1x64x128xf32, #tpu.memory_space<vmem>>
        %dma_wait3A_1884 = tpu.memref_squeeze %dma_wait3A_1883 : memref<1x64x128xf32, #tpu.memory_space<vmem>> -> memref<64x128xf32, #tpu.memory_space<vmem>>
        tpu.wait_dma2 semaphore(%arg18 : memref<!tpu.dma_semaphore, #tpu.memory_space<semaphore_mem>>) src(%dma_wait3A_1884 : memref<64x128xf32, #tpu.memory_space<vmem>>) dst(%dma_wait3A_1880 : memref<64x128xf32, #tpu.memory_space<hbm>>)
      } else {
      }
      %add3A_223 = arith.constant 1 : i32
      %add3A_224 = arith.addi %mul3A_172, %add3A_223 : i32
      %jit3A_225 = arith.constant 2 : i32
      %div3A_226 = arith.divsi %add3A_224, %jit3A_225 : i32
      %sign3A_227 = arith.constant 0 : i32
      %sign3A_228 = arith.cmpi sgt, %add3A_224, %sign3A_227 : i32
      %sign3A_229 = arith.extui %sign3A_228 : i1 to i32
      %sign3A_230 = arith.constant 0 : i32
      %sign3A_231 = arith.cmpi slt, %add3A_224, %sign3A_230 : i32
      %sign3A_232 = arith.extui %sign3A_231 : i1 to i32
      %sign3A_233 = arith.subi %sign3A_229, %sign3A_232 : i32
      %sign3A_234 = arith.constant 0 : i32
      %sign3A_235 = arith.cmpi sgt, %jit3A_225, %sign3A_234 : i32
      %sign3A_236 = arith.extui %sign3A_235 : i1 to i32
      %sign3A_237 = arith.constant 0 : i32
      %sign3A_238 = arith.cmpi slt, %jit3A_225, %sign3A_237 : i32
      %sign3A_239 = arith.extui %sign3A_238 : i1 to i32
      %sign3A_240 = arith.subi %sign3A_236, %sign3A_239 : i32
      %ne3A_241 = arith.cmpi ne, %sign3A_233, %sign3A_240 : i32
      %rem3A_242 = arith.remsi %add3A_224, %jit3A_225 : i32
      %ne3A_243 = arith.constant 0 : i32
      %ne3A_244 = arith.cmpi ne, %rem3A_242, %ne3A_243 : i32
      %and3A_245 = arith.andi %ne3A_241, %ne3A_244 : i1
      %sub3A_246 = arith.constant 1 : i32
      %sub3A_247 = arith.subi %div3A_226, %sub3A_246 : i32
      %select_n3A_248 = arith.select %and3A_245, %sub3A_247, %div3A_226 : i32
      %jit3A_249 = arith.constant 2 : i32
      %eq3A_250 = arith.constant 0 : i32
      %eq3A_251 = arith.cmpi eq, %jit3A_249, %eq3A_250 : i32
      %jit3A_252 = arith.constant 1 : i32
      %select_n3A_253 = arith.select %eq3A_251, %jit3A_252, %jit3A_249 : i32
      %rem3A_254 = arith.remsi %add3A_224, %select_n3A_253 : i32
      %ne3A_255 = arith.constant 0 : i32
      %ne3A_256 = arith.cmpi ne, %rem3A_254, %ne3A_255 : i32
      %lt3A_257 = arith.constant 0 : i32
      %lt3A_258 = arith.cmpi slt, %rem3A_254, %lt3A_257 : i32
      %lt3A_259 = arith.constant 0 : i32
      %lt3A_260 = arith.cmpi slt, %select_n3A_253, %lt3A_259 : i32
      %ne3A_261 = arith.xori %lt3A_258, %lt3A_260 : i1
      %and3A_262 = arith.andi %ne3A_261, %ne3A_256 : i1
      %add3A_263 = arith.addi %rem3A_254, %select_n3A_253 : i32
      %select_n3A_264 = arith.select %and3A_262, %add3A_263, %rem3A_254 : i32
      %mul3A_265 = arith.constant 64 : i32
      %mul3A_266 = arith.muli %select_n3A_264, %mul3A_265 : i32
      %dma_start3A_267 = arith.constant 1 : i32
      %dma_start3A_268 = arith.constant 0 : i32
      %dma_start3A_269 = arith.constant 0 : i32
      %dma_start3A_270 = tpu.memref_slice %arg6[%dma_start3A_267, %dma_start3A_268, %dma_start3A_269] : memref<10x64x128xf32, #tpu.memory_space<vmem>> -> memref<1x64x128xf32, #tpu.memory_space<vmem>>
      %dma_start3A_271 = tpu.memref_squeeze %dma_start3A_270 : memref<1x64x128xf32, #tpu.memory_space<vmem>> -> memref<64x128xf32, #tpu.memory_space<vmem>>
      %dma_start3A_272 = tpu.memref_slice %arg5[%select_n3A_248, %mul3A_266] : memref<50x128xi32, #tpu.memory_space<vmem>> -> memref<1x64xi32, #tpu.memory_space<vmem>>
      %dma_start3A_273 = tpu.memref_squeeze %dma_start3A_272 : memref<1x64xi32, #tpu.memory_space<vmem>> -> memref<64xi32, #tpu.memory_space<vmem>>
      %dma_start3A_274 = arith.constant 0 : i32
      %dma_start3A_275 = arith.constant 0 : i32
      %dma_start3A_276 = tpu.memref_slice %arg3[%dma_start3A_274, %dma_start3A_275] : memref<100000x128xf32, #tpu.memory_space<hbm>> -> memref<100000x128xf32, #tpu.memory_space<hbm>>
      tpu.enqueue_indirect_dma source(%dma_start3A_276 : memref<100000x128xf32, #tpu.memory_space<hbm>>) target(%dma_start3A_271 : memref<64x128xf32, #tpu.memory_space<vmem>>) offsets(%dma_start3A_273 : memref<64xi32, #tpu.memory_space<vmem>>) semaphore(%arg8 : memref<!tpu.dma_semaphore, #tpu.memory_space<semaphore_mem>>)
      %gt3A_277 = arith.constant 0 : i32
      %gt3A_278 = arith.cmpi sgt, %add3A_170, %gt3A_277 : i32
      %convert_element_type3A_279 = arith.extui %gt3A_278 : i1 to i32
      %cond3A_280 = arith.constant 0 : i32
      %cond3A_281 = arith.cmpi ne, %convert_element_type3A_279, %cond3A_280 : i32
      scf.if %cond3A_281 {
        %dma_wait3A_1869 = arith.constant 2 : i32
        %dma_wait3A_1870 = arith.constant 0 : i32
        %dma_wait3A_1871 = arith.constant 0 : i32
        %dma_wait3A_1872 = arith.constant 0 : i32
        %dma_wait3A_1873 = tpu.memref_slice %arg6[%dma_wait3A_1869, %dma_wait3A_1871, %dma_wait3A_1872] : memref<10x64x128xf32, #tpu.memory_space<vmem>> -> memref<1x64x128xf32, #tpu.memory_space<vmem>>
        %dma_wait3A_1874 = tpu.memref_squeeze %dma_wait3A_1873 : memref<1x64x128xf32, #tpu.memory_space<vmem>> -> memref<64x128xf32, #tpu.memory_space<vmem>>
        %dma_wait3A_1875 = arith.constant 0 : i32
        %dma_wait3A_1876 = tpu.memref_slice %arg4[%dma_wait3A_1870, %mul3A_2, %dma_wait3A_1875] : memref<50x4096x128xf32, #tpu.memory_space<hbm>> -> memref<1x64x128xf32, #tpu.memory_space<hbm>>
        %dma_wait3A_1877 = tpu.memref_squeeze %dma_wait3A_1876 : memref<1x64x128xf32, #tpu.memory_space<hbm>> -> memref<64x128xf32, #tpu.memory_space<hbm>>
        %dma_wait3A_1878 = arith.constant 0 : i32
        %dma_wait3A_1879 = tpu.memref_slice %arg4[%dma_wait3A_1870, %mul3A_2, %dma_wait3A_1878] : memref<50x4096x128xf32, #tpu.memory_space<hbm>> -> memref<1x64x128xf32, #tpu.memory_space<hbm>>
        %dma_wait3A_1880 = tpu.memref_squeeze %dma_wait3A_1879 : memref<1x64x128xf32, #tpu.memory_space<hbm>> -> memref<64x128xf32, #tpu.memory_space<hbm>>
        %dma_wait3A_1881 = arith.constant 0 : i32
        %dma_wait3A_1882 = arith.constant 0 : i32
        %dma_wait3A_1883 = tpu.memref_slice %arg6[%dma_wait3A_1869, %dma_wait3A_1881, %dma_wait3A_1882] : memref<10x64x128xf32, #tpu.memory_space<vmem>> -> memref<1x64x128xf32, #tpu.memory_space<vmem>>
        %dma_wait3A_1884 = tpu.memref_squeeze %dma_wait3A_1883 : memref<1x64x128xf32, #tpu.memory_space<vmem>> -> memref<64x128xf32, #tpu.memory_space<vmem>>
        tpu.wait_dma2 semaphore(%arg19 : memref<!tpu.dma_semaphore, #tpu.memory_space<semaphore_mem>>) src(%dma_wait3A_1884 : memref<64x128xf32, #tpu.memory_space<vmem>>) dst(%dma_wait3A_1880 : memref<64x128xf32, #tpu.memory_space<hbm>>)
      } else {
      }
      %add3A_282 = arith.constant 2 : i32
      %add3A_283 = arith.addi %mul3A_172, %add3A_282 : i32
      %jit3A_284 = arith.constant 2 : i32
      %div3A_285 = arith.divsi %add3A_283, %jit3A_284 : i32
      %sign3A_286 = arith.constant 0 : i32
      %sign3A_287 = arith.cmpi sgt, %add3A_283, %sign3A_286 : i32
      %sign3A_288 = arith.extui %sign3A_287 : i1 to i32
      %sign3A_289 = arith.constant 0 : i32
      %sign3A_290 = arith.cmpi slt, %add3A_283, %sign3A_289 : i32
      %sign3A_291 = arith.extui %sign3A_290 : i1 to i32
      %sign3A_292 = arith.subi %sign3A_288, %sign3A_291 : i32
      %sign3A_293 = arith.constant 0 : i32
      %sign3A_294 = arith.cmpi sgt, %jit3A_284, %sign3A_293 : i32
      %sign3A_295 = arith.extui %sign3A_294 : i1 to i32
      %sign3A_296 = arith.constant 0 : i32
      %sign3A_297 = arith.cmpi slt, %jit3A_284, %sign3A_296 : i32
      %sign3A_298 = arith.extui %sign3A_297 : i1 to i32
      %sign3A_299 = arith.subi %sign3A_295, %sign3A_298 : i32
      %ne3A_300 = arith.cmpi ne, %sign3A_292, %sign3A_299 : i32
      %rem3A_301 = arith.remsi %add3A_283, %jit3A_284 : i32
      %ne3A_302 = arith.constant 0 : i32
      %ne3A_303 = arith.cmpi ne, %rem3A_301, %ne3A_302 : i32
      %and3A_304 = arith.andi %ne3A_300, %ne3A_303 : i1
      %sub3A_305 = arith.constant 1 : i32
      %sub3A_306 = arith.subi %div3A_285, %sub3A_305 : i32
      %select_n3A_307 = arith.select %and3A_304, %sub3A_306, %div3A_285 : i32
      %jit3A_308 = arith.constant 2 : i32
      %eq3A_309 = arith.constant 0 : i32
      %eq3A_310 = arith.cmpi eq, %jit3A_308, %eq3A_309 : i32
      %jit3A_311 = arith.constant 1 : i32
      %select_n3A_312 = arith.select %eq3A_310, %jit3A_311, %jit3A_308 : i32
      %rem3A_313 = arith.remsi %add3A_283, %select_n3A_312 : i32
      %ne3A_314 = arith.constant 0 : i32
      %ne3A_315 = arith.cmpi ne, %rem3A_313, %ne3A_314 : i32
      %lt3A_316 = arith.constant 0 : i32
      %lt3A_317 = arith.cmpi slt, %rem3A_313, %lt3A_316 : i32
      %lt3A_318 = arith.constant 0 : i32
      %lt3A_319 = arith.cmpi slt, %select_n3A_312, %lt3A_318 : i32
      %ne3A_320 = arith.xori %lt3A_317, %lt3A_319 : i1
      %and3A_321 = arith.andi %ne3A_320, %ne3A_315 : i1
      %add3A_322 = arith.addi %rem3A_313, %select_n3A_312 : i32
      %select_n3A_323 = arith.select %and3A_321, %add3A_322, %rem3A_313 : i32
      %mul3A_324 = arith.constant 64 : i32
      %mul3A_325 = arith.muli %select_n3A_323, %mul3A_324 : i32
      %dma_start3A_326 = arith.constant 2 : i32
      %dma_start3A_327 = arith.constant 0 : i32
      %dma_start3A_328 = arith.constant 0 : i32
      %dma_start3A_329 = tpu.memref_slice %arg6[%dma_start3A_326, %dma_start3A_327, %dma_start3A_328] : memref<10x64x128xf32, #tpu.memory_space<vmem>> -> memref<1x64x128xf32, #tpu.memory_space<vmem>>
      %dma_start3A_330 = tpu.memref_squeeze %dma_start3A_329 : memref<1x64x128xf32, #tpu.memory_space<vmem>> -> memref<64x128xf32, #tpu.memory_space<vmem>>
      %dma_start3A_331 = tpu.memref_slice %arg5[%select_n3A_307, %mul3A_325] : memref<50x128xi32, #tpu.memory_space<vmem>> -> memref<1x64xi32, #tpu.memory_space<vmem>>
      %dma_start3A_332 = tpu.memref_squeeze %dma_start3A_331 : memref<1x64xi32, #tpu.memory_space<vmem>> -> memref<64xi32, #tpu.memory_space<vmem>>
      %dma_start3A_333 = arith.constant 0 : i32
      %dma_start3A_334 = arith.constant 0 : i32
      %dma_start3A_335 = tpu.memref_slice %arg3[%dma_start3A_333, %dma_start3A_334] : memref<100000x128xf32, #tpu.memory_space<hbm>> -> memref<100000x128xf32, #tpu.memory_space<hbm>>
      tpu.enqueue_indirect_dma source(%dma_start3A_335 : memref<100000x128xf32, #tpu.memory_space<hbm>>) target(%dma_start3A_330 : memref<64x128xf32, #tpu.memory_space<vmem>>) offsets(%dma_start3A_332 : memref<64xi32, #tpu.memory_space<vmem>>) semaphore(%arg9 : memref<!tpu.dma_semaphore, #tpu.memory_space<semaphore_mem>>)
      %gt3A_336 = arith.constant 0 : i32
      %gt3A_337 = arith.cmpi sgt, %add3A_170, %gt3A_336 : i32
      %convert_element_type3A_338 = arith.extui %gt3A_337 : i1 to i32
      %cond3A_339 = arith.constant 0 : i32
      %cond3A_340 = arith.cmpi ne, %convert_element_type3A_338, %cond3A_339 : i32
      scf.if %cond3A_340 {
        %dma_wait3A_1869 = arith.constant 3 : i32
        %dma_wait3A_1870 = arith.constant 0 : i32
        %dma_wait3A_1871 = arith.constant 0 : i32
        %dma_wait3A_1872 = arith.constant 0 : i32
        %dma_wait3A_1873 = tpu.memref_slice %arg6[%dma_wait3A_1869, %dma_wait3A_1871, %dma_wait3A_1872] : memref<10x64x128xf32, #tpu.memory_space<vmem>> -> memref<1x64x128xf32, #tpu.memory_space<vmem>>
        %dma_wait3A_1874 = tpu.memref_squeeze %dma_wait3A_1873 : memref<1x64x128xf32, #tpu.memory_space<vmem>> -> memref<64x128xf32, #tpu.memory_space<vmem>>
        %dma_wait3A_1875 = arith.constant 0 : i32
        %dma_wait3A_1876 = tpu.memref_slice %arg4[%dma_wait3A_1870, %mul3A_2, %dma_wait3A_1875] : memref<50x4096x128xf32, #tpu.memory_space<hbm>> -> memref<1x64x128xf32, #tpu.memory_space<hbm>>
        %dma_wait3A_1877 = tpu.memref_squeeze %dma_wait3A_1876 : memref<1x64x128xf32, #tpu.memory_space<hbm>> -> memref<64x128xf32, #tpu.memory_space<hbm>>
        %dma_wait3A_1878 = arith.constant 0 : i32
        %dma_wait3A_1879 = tpu.memref_slice %arg4[%dma_wait3A_1870, %mul3A_2, %dma_wait3A_1878] : memref<50x4096x128xf32, #tpu.memory_space<hbm>> -> memref<1x64x128xf32, #tpu.memory_space<hbm>>
        %dma_wait3A_1880 = tpu.memref_squeeze %dma_wait3A_1879 : memref<1x64x128xf32, #tpu.memory_space<hbm>> -> memref<64x128xf32, #tpu.memory_space<hbm>>
        %dma_wait3A_1881 = arith.constant 0 : i32
        %dma_wait3A_1882 = arith.constant 0 : i32
        %dma_wait3A_1883 = tpu.memref_slice %arg6[%dma_wait3A_1869, %dma_wait3A_1881, %dma_wait3A_1882] : memref<10x64x128xf32, #tpu.memory_space<vmem>> -> memref<1x64x128xf32, #tpu.memory_space<vmem>>
        %dma_wait3A_1884 = tpu.memref_squeeze %dma_wait3A_1883 : memref<1x64x128xf32, #tpu.memory_space<vmem>> -> memref<64x128xf32, #tpu.memory_space<vmem>>
        tpu.wait_dma2 semaphore(%arg20 : memref<!tpu.dma_semaphore, #tpu.memory_space<semaphore_mem>>) src(%dma_wait3A_1884 : memref<64x128xf32, #tpu.memory_space<vmem>>) dst(%dma_wait3A_1880 : memref<64x128xf32, #tpu.memory_space<hbm>>)
      } else {
      }
      %add3A_341 = arith.constant 3 : i32
      %add3A_342 = arith.addi %mul3A_172, %add3A_341 : i32
      %jit3A_343 = arith.constant 2 : i32
      %div3A_344 = arith.divsi %add3A_342, %jit3A_343 : i32
      %sign3A_345 = arith.constant 0 : i32
      %sign3A_346 = arith.cmpi sgt, %add3A_342, %sign3A_345 : i32
      %sign3A_347 = arith.extui %sign3A_346 : i1 to i32
      %sign3A_348 = arith.constant 0 : i32
      %sign3A_349 = arith.cmpi slt, %add3A_342, %sign3A_348 : i32
      %sign3A_350 = arith.extui %sign3A_349 : i1 to i32
      %sign3A_351 = arith.subi %sign3A_347, %sign3A_350 : i32
      %sign3A_352 = arith.constant 0 : i32
      %sign3A_353 = arith.cmpi sgt, %jit3A_343, %sign3A_352 : i32
      %sign3A_354 = arith.extui %sign3A_353 : i1 to i32
      %sign3A_355 = arith.constant 0 : i32
      %sign3A_356 = arith.cmpi slt, %jit3A_343, %sign3A_355 : i32
      %sign3A_357 = arith.extui %sign3A_356 : i1 to i32
      %sign3A_358 = arith.subi %sign3A_354, %sign3A_357 : i32
      %ne3A_359 = arith.cmpi ne, %sign3A_351, %sign3A_358 : i32
      %rem3A_360 = arith.remsi %add3A_342, %jit3A_343 : i32
      %ne3A_361 = arith.constant 0 : i32
      %ne3A_362 = arith.cmpi ne, %rem3A_360, %ne3A_361 : i32
      %and3A_363 = arith.andi %ne3A_359, %ne3A_362 : i1
      %sub3A_364 = arith.constant 1 : i32
      %sub3A_365 = arith.subi %div3A_344, %sub3A_364 : i32
      %select_n3A_366 = arith.select %and3A_363, %sub3A_365, %div3A_344 : i32
      %jit3A_367 = arith.constant 2 : i32
      %eq3A_368 = arith.constant 0 : i32
      %eq3A_369 = arith.cmpi eq, %jit3A_367, %eq3A_368 : i32
      %jit3A_370 = arith.constant 1 : i32
      %select_n3A_371 = arith.select %eq3A_369, %jit3A_370, %jit3A_367 : i32
      %rem3A_372 = arith.remsi %add3A_342, %select_n3A_371 : i32
      %ne3A_373 = arith.constant 0 : i32
      %ne3A_374 = arith.cmpi ne, %rem3A_372, %ne3A_373 : i32
      %lt3A_375 = arith.constant 0 : i32
      %lt3A_376 = arith.cmpi slt, %rem3A_372, %lt3A_375 : i32
      %lt3A_377 = arith.constant 0 : i32
      %lt3A_378 = arith.cmpi slt, %select_n3A_371, %lt3A_377 : i32
      %ne3A_379 = arith.xori %lt3A_376, %lt3A_378 : i1
      %and3A_380 = arith.andi %ne3A_379, %ne3A_374 : i1
      %add3A_381 = arith.addi %rem3A_372, %select_n3A_371 : i32
      %select_n3A_382 = arith.select %and3A_380, %add3A_381, %rem3A_372 : i32
      %mul3A_383 = arith.constant 64 : i32
      %mul3A_384 = arith.muli %select_n3A_382, %mul3A_383 : i32
      %dma_start3A_385 = arith.constant 3 : i32
      %dma_start3A_386 = arith.constant 0 : i32
      %dma_start3A_387 = arith.constant 0 : i32
      %dma_start3A_388 = tpu.memref_slice %arg6[%dma_start3A_385, %dma_start3A_386, %dma_start3A_387] : memref<10x64x128xf32, #tpu.memory_space<vmem>> -> memref<1x64x128xf32, #tpu.memory_space<vmem>>
      %dma_start3A_389 = tpu.memref_squeeze %dma_start3A_388 : memref<1x64x128xf32, #tpu.memory_space<vmem>> -> memref<64x128xf32, #tpu.memory_space<vmem>>
      %dma_start3A_390 = tpu.memref_slice %arg5[%select_n3A_366, %mul3A_384] : memref<50x128xi32, #tpu.memory_space<vmem>> -> memref<1x64xi32, #tpu.memory_space<vmem>>
      %dma_start3A_391 = tpu.memref_squeeze %dma_start3A_390 : memref<1x64xi32, #tpu.memory_space<vmem>> -> memref<64xi32, #tpu.memory_space<vmem>>
      %dma_start3A_392 = arith.constant 0 : i32
      %dma_start3A_393 = arith.constant 0 : i32
      %dma_start3A_394 = tpu.memref_slice %arg3[%dma_start3A_392, %dma_start3A_393] : memref<100000x128xf32, #tpu.memory_space<hbm>> -> memref<100000x128xf32, #tpu.memory_space<hbm>>
      tpu.enqueue_indirect_dma source(%dma_start3A_394 : memref<100000x128xf32, #tpu.memory_space<hbm>>) target(%dma_start3A_389 : memref<64x128xf32, #tpu.memory_space<vmem>>) offsets(%dma_start3A_391 : memref<64xi32, #tpu.memory_space<vmem>>) semaphore(%arg10 : memref<!tpu.dma_semaphore, #tpu.memory_space<semaphore_mem>>)
      %gt3A_395 = arith.constant 0 : i32
      %gt3A_396 = arith.cmpi sgt, %add3A_170, %gt3A_395 : i32
      %convert_element_type3A_397 = arith.extui %gt3A_396 : i1 to i32
      %cond3A_398 = arith.constant 0 : i32
      %cond3A_399 = arith.cmpi ne, %convert_element_type3A_397, %cond3A_398 : i32
      scf.if %cond3A_399 {
        %dma_wait3A_1869 = arith.constant 4 : i32
        %dma_wait3A_1870 = arith.constant 0 : i32
        %dma_wait3A_1871 = arith.constant 0 : i32
        %dma_wait3A_1872 = arith.constant 0 : i32
        %dma_wait3A_1873 = tpu.memref_slice %arg6[%dma_wait3A_1869, %dma_wait3A_1871, %dma_wait3A_1872] : memref<10x64x128xf32, #tpu.memory_space<vmem>> -> memref<1x64x128xf32, #tpu.memory_space<vmem>>
        %dma_wait3A_1874 = tpu.memref_squeeze %dma_wait3A_1873 : memref<1x64x128xf32, #tpu.memory_space<vmem>> -> memref<64x128xf32, #tpu.memory_space<vmem>>
        %dma_wait3A_1875 = arith.constant 0 : i32
        %dma_wait3A_1876 = tpu.memref_slice %arg4[%dma_wait3A_1870, %mul3A_2, %dma_wait3A_1875] : memref<50x4096x128xf32, #tpu.memory_space<hbm>> -> memref<1x64x128xf32, #tpu.memory_space<hbm>>
        %dma_wait3A_1877 = tpu.memref_squeeze %dma_wait3A_1876 : memref<1x64x128xf32, #tpu.memory_space<hbm>> -> memref<64x128xf32, #tpu.memory_space<hbm>>
        %dma_wait3A_1878 = arith.constant 0 : i32
        %dma_wait3A_1879 = tpu.memref_slice %arg4[%dma_wait3A_1870, %mul3A_2, %dma_wait3A_1878] : memref<50x4096x128xf32, #tpu.memory_space<hbm>> -> memref<1x64x128xf32, #tpu.memory_space<hbm>>
        %dma_wait3A_1880 = tpu.memref_squeeze %dma_wait3A_1879 : memref<1x64x128xf32, #tpu.memory_space<hbm>> -> memref<64x128xf32, #tpu.memory_space<hbm>>
        %dma_wait3A_1881 = arith.constant 0 : i32
        %dma_wait3A_1882 = arith.constant 0 : i32
        %dma_wait3A_1883 = tpu.memref_slice %arg6[%dma_wait3A_1869, %dma_wait3A_1881, %dma_wait3A_1882] : memref<10x64x128xf32, #tpu.memory_space<vmem>> -> memref<1x64x128xf32, #tpu.memory_space<vmem>>
        %dma_wait3A_1884 = tpu.memref_squeeze %dma_wait3A_1883 : memref<1x64x128xf32, #tpu.memory_space<vmem>> -> memref<64x128xf32, #tpu.memory_space<vmem>>
        tpu.wait_dma2 semaphore(%arg21 : memref<!tpu.dma_semaphore, #tpu.memory_space<semaphore_mem>>) src(%dma_wait3A_1884 : memref<64x128xf32, #tpu.memory_space<vmem>>) dst(%dma_wait3A_1880 : memref<64x128xf32, #tpu.memory_space<hbm>>)
      } else {
      }
      %add3A_400 = arith.constant 4 : i32
      %add3A_401 = arith.addi %mul3A_172, %add3A_400 : i32
      %jit3A_402 = arith.constant 2 : i32
      %div3A_403 = arith.divsi %add3A_401, %jit3A_402 : i32
      %sign3A_404 = arith.constant 0 : i32
      %sign3A_405 = arith.cmpi sgt, %add3A_401, %sign3A_404 : i32
      %sign3A_406 = arith.extui %sign3A_405 : i1 to i32
      %sign3A_407 = arith.constant 0 : i32
      %sign3A_408 = arith.cmpi slt, %add3A_401, %sign3A_407 : i32
      %sign3A_409 = arith.extui %sign3A_408 : i1 to i32
      %sign3A_410 = arith.subi %sign3A_406, %sign3A_409 : i32
      %sign3A_411 = arith.constant 0 : i32
      %sign3A_412 = arith.cmpi sgt, %jit3A_402, %sign3A_411 : i32
      %sign3A_413 = arith.extui %sign3A_412 : i1 to i32
      %sign3A_414 = arith.constant 0 : i32
      %sign3A_415 = arith.cmpi slt, %jit3A_402, %sign3A_414 : i32
      %sign3A_416 = arith.extui %sign3A_415 : i1 to i32
      %sign3A_417 = arith.subi %sign3A_413, %sign3A_416 : i32
      %ne3A_418 = arith.cmpi ne, %sign3A_410, %sign3A_417 : i32
      %rem3A_419 = arith.remsi %add3A_401, %jit3A_402 : i32
      %ne3A_420 = arith.constant 0 : i32
      %ne3A_421 = arith.cmpi ne, %rem3A_419, %ne3A_420 : i32
      %and3A_422 = arith.andi %ne3A_418, %ne3A_421 : i1
      %sub3A_423 = arith.constant 1 : i32
      %sub3A_424 = arith.subi %div3A_403, %sub3A_423 : i32
      %select_n3A_425 = arith.select %and3A_422, %sub3A_424, %div3A_403 : i32
      %jit3A_426 = arith.constant 2 : i32
      %eq3A_427 = arith.constant 0 : i32
      %eq3A_428 = arith.cmpi eq, %jit3A_426, %eq3A_427 : i32
      %jit3A_429 = arith.constant 1 : i32
      %select_n3A_430 = arith.select %eq3A_428, %jit3A_429, %jit3A_426 : i32
      %rem3A_431 = arith.remsi %add3A_401, %select_n3A_430 : i32
      %ne3A_432 = arith.constant 0 : i32
      %ne3A_433 = arith.cmpi ne, %rem3A_431, %ne3A_432 : i32
      %lt3A_434 = arith.constant 0 : i32
      %lt3A_435 = arith.cmpi slt, %rem3A_431, %lt3A_434 : i32
      %lt3A_436 = arith.constant 0 : i32
      %lt3A_437 = arith.cmpi slt, %select_n3A_430, %lt3A_436 : i32
      %ne3A_438 = arith.xori %lt3A_435, %lt3A_437 : i1
      %and3A_439 = arith.andi %ne3A_438, %ne3A_433 : i1
      %add3A_440 = arith.addi %rem3A_431, %select_n3A_430 : i32
      %select_n3A_441 = arith.select %and3A_439, %add3A_440, %rem3A_431 : i32
      %mul3A_442 = arith.constant 64 : i32
      %mul3A_443 = arith.muli %select_n3A_441, %mul3A_442 : i32
      %dma_start3A_444 = arith.constant 4 : i32
      %dma_start3A_445 = arith.constant 0 : i32
      %dma_start3A_446 = arith.constant 0 : i32
      %dma_start3A_447 = tpu.memref_slice %arg6[%dma_start3A_444, %dma_start3A_445, %dma_start3A_446] : memref<10x64x128xf32, #tpu.memory_space<vmem>> -> memref<1x64x128xf32, #tpu.memory_space<vmem>>
      %dma_start3A_448 = tpu.memref_squeeze %dma_start3A_447 : memref<1x64x128xf32, #tpu.memory_space<vmem>> -> memref<64x128xf32, #tpu.memory_space<vmem>>
      %dma_start3A_449 = tpu.memref_slice %arg5[%select_n3A_425, %mul3A_443] : memref<50x128xi32, #tpu.memory_space<vmem>> -> memref<1x64xi32, #tpu.memory_space<vmem>>
      %dma_start3A_450 = tpu.memref_squeeze %dma_start3A_449 : memref<1x64xi32, #tpu.memory_space<vmem>> -> memref<64xi32, #tpu.memory_space<vmem>>
      %dma_start3A_451 = arith.constant 0 : i32
      %dma_start3A_452 = arith.constant 0 : i32
      %dma_start3A_453 = tpu.memref_slice %arg3[%dma_start3A_451, %dma_start3A_452] : memref<100000x128xf32, #tpu.memory_space<hbm>> -> memref<100000x128xf32, #tpu.memory_space<hbm>>
      tpu.enqueue_indirect_dma source(%dma_start3A_453 : memref<100000x128xf32, #tpu.memory_space<hbm>>) target(%dma_start3A_448 : memref<64x128xf32, #tpu.memory_space<vmem>>) offsets(%dma_start3A_450 : memref<64xi32, #tpu.memory_space<vmem>>) semaphore(%arg11 : memref<!tpu.dma_semaphore, #tpu.memory_space<semaphore_mem>>)
      %gt3A_454 = arith.constant 0 : i32
      %gt3A_455 = arith.cmpi sgt, %add3A_170, %gt3A_454 : i32
      %convert_element_type3A_456 = arith.extui %gt3A_455 : i1 to i32
      %cond3A_457 = arith.constant 0 : i32
      %cond3A_458 = arith.cmpi ne, %convert_element_type3A_456, %cond3A_457 : i32
      scf.if %cond3A_458 {
        %dma_wait3A_1869 = arith.constant 5 : i32
        %dma_wait3A_1870 = arith.constant 0 : i32
        %dma_wait3A_1871 = arith.constant 0 : i32
        %dma_wait3A_1872 = arith.constant 0 : i32
        %dma_wait3A_1873 = tpu.memref_slice %arg6[%dma_wait3A_1869, %dma_wait3A_1871, %dma_wait3A_1872] : memref<10x64x128xf32, #tpu.memory_space<vmem>> -> memref<1x64x128xf32, #tpu.memory_space<vmem>>
        %dma_wait3A_1874 = tpu.memref_squeeze %dma_wait3A_1873 : memref<1x64x128xf32, #tpu.memory_space<vmem>> -> memref<64x128xf32, #tpu.memory_space<vmem>>
        %dma_wait3A_1875 = arith.constant 0 : i32
        %dma_wait3A_1876 = tpu.memref_slice %arg4[%dma_wait3A_1870, %mul3A_2, %dma_wait3A_1875] : memref<50x4096x128xf32, #tpu.memory_space<hbm>> -> memref<1x64x128xf32, #tpu.memory_space<hbm>>
        %dma_wait3A_1877 = tpu.memref_squeeze %dma_wait3A_1876 : memref<1x64x128xf32, #tpu.memory_space<hbm>> -> memref<64x128xf32, #tpu.memory_space<hbm>>
        %dma_wait3A_1878 = arith.constant 0 : i32
        %dma_wait3A_1879 = tpu.memref_slice %arg4[%dma_wait3A_1870, %mul3A_2, %dma_wait3A_1878] : memref<50x4096x128xf32, #tpu.memory_space<hbm>> -> memref<1x64x128xf32, #tpu.memory_space<hbm>>
        %dma_wait3A_1880 = tpu.memref_squeeze %dma_wait3A_1879 : memref<1x64x128xf32, #tpu.memory_space<hbm>> -> memref<64x128xf32, #tpu.memory_space<hbm>>
        %dma_wait3A_1881 = arith.constant 0 : i32
        %dma_wait3A_1882 = arith.constant 0 : i32
        %dma_wait3A_1883 = tpu.memref_slice %arg6[%dma_wait3A_1869, %dma_wait3A_1881, %dma_wait3A_1882] : memref<10x64x128xf32, #tpu.memory_space<vmem>> -> memref<1x64x128xf32, #tpu.memory_space<vmem>>
        %dma_wait3A_1884 = tpu.memref_squeeze %dma_wait3A_1883 : memref<1x64x128xf32, #tpu.memory_space<vmem>> -> memref<64x128xf32, #tpu.memory_space<vmem>>
        tpu.wait_dma2 semaphore(%arg22 : memref<!tpu.dma_semaphore, #tpu.memory_space<semaphore_mem>>) src(%dma_wait3A_1884 : memref<64x128xf32, #tpu.memory_space<vmem>>) dst(%dma_wait3A_1880 : memref<64x128xf32, #tpu.memory_space<hbm>>)
      } else {
      }
      %add3A_459 = arith.constant 5 : i32
      %add3A_460 = arith.addi %mul3A_172, %add3A_459 : i32
      %jit3A_461 = arith.constant 2 : i32
      %div3A_462 = arith.divsi %add3A_460, %jit3A_461 : i32
      %sign3A_463 = arith.constant 0 : i32
      %sign3A_464 = arith.cmpi sgt, %add3A_460, %sign3A_463 : i32
      %sign3A_465 = arith.extui %sign3A_464 : i1 to i32
      %sign3A_466 = arith.constant 0 : i32
      %sign3A_467 = arith.cmpi slt, %add3A_460, %sign3A_466 : i32
      %sign3A_468 = arith.extui %sign3A_467 : i1 to i32
      %sign3A_469 = arith.subi %sign3A_465, %sign3A_468 : i32
      %sign3A_470 = arith.constant 0 : i32
      %sign3A_471 = arith.cmpi sgt, %jit3A_461, %sign3A_470 : i32
      %sign3A_472 = arith.extui %sign3A_471 : i1 to i32
      %sign3A_473 = arith.constant 0 : i32
      %sign3A_474 = arith.cmpi slt, %jit3A_461, %sign3A_473 : i32
      %sign3A_475 = arith.extui %sign3A_474 : i1 to i32
      %sign3A_476 = arith.subi %sign3A_472, %sign3A_475 : i32
      %ne3A_477 = arith.cmpi ne, %sign3A_469, %sign3A_476 : i32
      %rem3A_478 = arith.remsi %add3A_460, %jit3A_461 : i32
      %ne3A_479 = arith.constant 0 : i32
      %ne3A_480 = arith.cmpi ne, %rem3A_478, %ne3A_479 : i32
      %and3A_481 = arith.andi %ne3A_477, %ne3A_480 : i1
      %sub3A_482 = arith.constant 1 : i32
      %sub3A_483 = arith.subi %div3A_462, %sub3A_482 : i32
      %select_n3A_484 = arith.select %and3A_481, %sub3A_483, %div3A_462 : i32
      %jit3A_485 = arith.constant 2 : i32
      %eq3A_486 = arith.constant 0 : i32
      %eq3A_487 = arith.cmpi eq, %jit3A_485, %eq3A_486 : i32
      %jit3A_488 = arith.constant 1 : i32
      %select_n3A_489 = arith.select %eq3A_487, %jit3A_488, %jit3A_485 : i32
      %rem3A_490 = arith.remsi %add3A_460, %select_n3A_489 : i32
      %ne3A_491 = arith.constant 0 : i32
      %ne3A_492 = arith.cmpi ne, %rem3A_490, %ne3A_491 : i32
      %lt3A_493 = arith.constant 0 : i32
      %lt3A_494 = arith.cmpi slt, %rem3A_490, %lt3A_493 : i32
      %lt3A_495 = arith.constant 0 : i32
      %lt3A_496 = arith.cmpi slt, %select_n3A_489, %lt3A_495 : i32
      %ne3A_497 = arith.xori %lt3A_494, %lt3A_496 : i1
      %and3A_498 = arith.andi %ne3A_497, %ne3A_492 : i1
      %add3A_499 = arith.addi %rem3A_490, %select_n3A_489 : i32
      %select_n3A_500 = arith.select %and3A_498, %add3A_499, %rem3A_490 : i32
      %mul3A_501 = arith.constant 64 : i32
      %mul3A_502 = arith.muli %select_n3A_500, %mul3A_501 : i32
      %dma_start3A_503 = arith.constant 5 : i32
      %dma_start3A_504 = arith.constant 0 : i32
      %dma_start3A_505 = arith.constant 0 : i32
      %dma_start3A_506 = tpu.memref_slice %arg6[%dma_start3A_503, %dma_start3A_504, %dma_start3A_505] : memref<10x64x128xf32, #tpu.memory_space<vmem>> -> memref<1x64x128xf32, #tpu.memory_space<vmem>>
      %dma_start3A_507 = tpu.memref_squeeze %dma_start3A_506 : memref<1x64x128xf32, #tpu.memory_space<vmem>> -> memref<64x128xf32, #tpu.memory_space<vmem>>
      %dma_start3A_508 = tpu.memref_slice %arg5[%select_n3A_484, %mul3A_502] : memref<50x128xi32, #tpu.memory_space<vmem>> -> memref<1x64xi32, #tpu.memory_space<vmem>>
      %dma_start3A_509 = tpu.memref_squeeze %dma_start3A_508 : memref<1x64xi32, #tpu.memory_space<vmem>> -> memref<64xi32, #tpu.memory_space<vmem>>
      %dma_start3A_510 = arith.constant 0 : i32
      %dma_start3A_511 = arith.constant 0 : i32
      %dma_start3A_512 = tpu.memref_slice %arg3[%dma_start3A_510, %dma_start3A_511] : memref<100000x128xf32, #tpu.memory_space<hbm>> -> memref<100000x128xf32, #tpu.memory_space<hbm>>
      tpu.enqueue_indirect_dma source(%dma_start3A_512 : memref<100000x128xf32, #tpu.memory_space<hbm>>) target(%dma_start3A_507 : memref<64x128xf32, #tpu.memory_space<vmem>>) offsets(%dma_start3A_509 : memref<64xi32, #tpu.memory_space<vmem>>) semaphore(%arg12 : memref<!tpu.dma_semaphore, #tpu.memory_space<semaphore_mem>>)
      %gt3A_513 = arith.constant 0 : i32
      %gt3A_514 = arith.cmpi sgt, %add3A_170, %gt3A_513 : i32
      %convert_element_type3A_515 = arith.extui %gt3A_514 : i1 to i32
      %cond3A_516 = arith.constant 0 : i32
      %cond3A_517 = arith.cmpi ne, %convert_element_type3A_515, %cond3A_516 : i32
      scf.if %cond3A_517 {
        %dma_wait3A_1869 = arith.constant 6 : i32
        %dma_wait3A_1870 = arith.constant 0 : i32
        %dma_wait3A_1871 = arith.constant 0 : i32
        %dma_wait3A_1872 = arith.constant 0 : i32
        %dma_wait3A_1873 = tpu.memref_slice %arg6[%dma_wait3A_1869, %dma_wait3A_1871, %dma_wait3A_1872] : memref<10x64x128xf32, #tpu.memory_space<vmem>> -> memref<1x64x128xf32, #tpu.memory_space<vmem>>
        %dma_wait3A_1874 = tpu.memref_squeeze %dma_wait3A_1873 : memref<1x64x128xf32, #tpu.memory_space<vmem>> -> memref<64x128xf32, #tpu.memory_space<vmem>>
        %dma_wait3A_1875 = arith.constant 0 : i32
        %dma_wait3A_1876 = tpu.memref_slice %arg4[%dma_wait3A_1870, %mul3A_2, %dma_wait3A_1875] : memref<50x4096x128xf32, #tpu.memory_space<hbm>> -> memref<1x64x128xf32, #tpu.memory_space<hbm>>
        %dma_wait3A_1877 = tpu.memref_squeeze %dma_wait3A_1876 : memref<1x64x128xf32, #tpu.memory_space<hbm>> -> memref<64x128xf32, #tpu.memory_space<hbm>>
        %dma_wait3A_1878 = arith.constant 0 : i32
        %dma_wait3A_1879 = tpu.memref_slice %arg4[%dma_wait3A_1870, %mul3A_2, %dma_wait3A_1878] : memref<50x4096x128xf32, #tpu.memory_space<hbm>> -> memref<1x64x128xf32, #tpu.memory_space<hbm>>
        %dma_wait3A_1880 = tpu.memref_squeeze %dma_wait3A_1879 : memref<1x64x128xf32, #tpu.memory_space<hbm>> -> memref<64x128xf32, #tpu.memory_space<hbm>>
        %dma_wait3A_1881 = arith.constant 0 : i32
        %dma_wait3A_1882 = arith.constant 0 : i32
        %dma_wait3A_1883 = tpu.memref_slice %arg6[%dma_wait3A_1869, %dma_wait3A_1881, %dma_wait3A_1882] : memref<10x64x128xf32, #tpu.memory_space<vmem>> -> memref<1x64x128xf32, #tpu.memory_space<vmem>>
        %dma_wait3A_1884 = tpu.memref_squeeze %dma_wait3A_1883 : memref<1x64x128xf32, #tpu.memory_space<vmem>> -> memref<64x128xf32, #tpu.memory_space<vmem>>
        tpu.wait_dma2 semaphore(%arg23 : memref<!tpu.dma_semaphore, #tpu.memory_space<semaphore_mem>>) src(%dma_wait3A_1884 : memref<64x128xf32, #tpu.memory_space<vmem>>) dst(%dma_wait3A_1880 : memref<64x128xf32, #tpu.memory_space<hbm>>)
      } else {
      }
      %add3A_518 = arith.constant 6 : i32
      %add3A_519 = arith.addi %mul3A_172, %add3A_518 : i32
      %jit3A_520 = arith.constant 2 : i32
      %div3A_521 = arith.divsi %add3A_519, %jit3A_520 : i32
      %sign3A_522 = arith.constant 0 : i32
      %sign3A_523 = arith.cmpi sgt, %add3A_519, %sign3A_522 : i32
      %sign3A_524 = arith.extui %sign3A_523 : i1 to i32
      %sign3A_525 = arith.constant 0 : i32
      %sign3A_526 = arith.cmpi slt, %add3A_519, %sign3A_525 : i32
      %sign3A_527 = arith.extui %sign3A_526 : i1 to i32
      %sign3A_528 = arith.subi %sign3A_524, %sign3A_527 : i32
      %sign3A_529 = arith.constant 0 : i32
      %sign3A_530 = arith.cmpi sgt, %jit3A_520, %sign3A_529 : i32
      %sign3A_531 = arith.extui %sign3A_530 : i1 to i32
      %sign3A_532 = arith.constant 0 : i32
      %sign3A_533 = arith.cmpi slt, %jit3A_520, %sign3A_532 : i32
      %sign3A_534 = arith.extui %sign3A_533 : i1 to i32
      %sign3A_535 = arith.subi %sign3A_531, %sign3A_534 : i32
      %ne3A_536 = arith.cmpi ne, %sign3A_528, %sign3A_535 : i32
      %rem3A_537 = arith.remsi %add3A_519, %jit3A_520 : i32
      %ne3A_538 = arith.constant 0 : i32
      %ne3A_539 = arith.cmpi ne, %rem3A_537, %ne3A_538 : i32
      %and3A_540 = arith.andi %ne3A_536, %ne3A_539 : i1
      %sub3A_541 = arith.constant 1 : i32
      %sub3A_542 = arith.subi %div3A_521, %sub3A_541 : i32
      %select_n3A_543 = arith.select %and3A_540, %sub3A_542, %div3A_521 : i32
      %jit3A_544 = arith.constant 2 : i32
      %eq3A_545 = arith.constant 0 : i32
      %eq3A_546 = arith.cmpi eq, %jit3A_544, %eq3A_545 : i32
      %jit3A_547 = arith.constant 1 : i32
      %select_n3A_548 = arith.select %eq3A_546, %jit3A_547, %jit3A_544 : i32
      %rem3A_549 = arith.remsi %add3A_519, %select_n3A_548 : i32
      %ne3A_550 = arith.constant 0 : i32
      %ne3A_551 = arith.cmpi ne, %rem3A_549, %ne3A_550 : i32
      %lt3A_552 = arith.constant 0 : i32
      %lt3A_553 = arith.cmpi slt, %rem3A_549, %lt3A_552 : i32
      %lt3A_554 = arith.constant 0 : i32
      %lt3A_555 = arith.cmpi slt, %select_n3A_548, %lt3A_554 : i32
      %ne3A_556 = arith.xori %lt3A_553, %lt3A_555 : i1
      %and3A_557 = arith.andi %ne3A_556, %ne3A_551 : i1
      %add3A_558 = arith.addi %rem3A_549, %select_n3A_548 : i32
      %select_n3A_559 = arith.select %and3A_557, %add3A_558, %rem3A_549 : i32
      %mul3A_560 = arith.constant 64 : i32
      %mul3A_561 = arith.muli %select_n3A_559, %mul3A_560 : i32
      %dma_start3A_562 = arith.constant 6 : i32
      %dma_start3A_563 = arith.constant 0 : i32
      %dma_start3A_564 = arith.constant 0 : i32
      %dma_start3A_565 = tpu.memref_slice %arg6[%dma_start3A_562, %dma_start3A_563, %dma_start3A_564] : memref<10x64x128xf32, #tpu.memory_space<vmem>> -> memref<1x64x128xf32, #tpu.memory_space<vmem>>
      %dma_start3A_566 = tpu.memref_squeeze %dma_start3A_565 : memref<1x64x128xf32, #tpu.memory_space<vmem>> -> memref<64x128xf32, #tpu.memory_space<vmem>>
      %dma_start3A_567 = tpu.memref_slice %arg5[%select_n3A_543, %mul3A_561] : memref<50x128xi32, #tpu.memory_space<vmem>> -> memref<1x64xi32, #tpu.memory_space<vmem>>
      %dma_start3A_568 = tpu.memref_squeeze %dma_start3A_567 : memref<1x64xi32, #tpu.memory_space<vmem>> -> memref<64xi32, #tpu.memory_space<vmem>>
      %dma_start3A_569 = arith.constant 0 : i32
      %dma_start3A_570 = arith.constant 0 : i32
      %dma_start3A_571 = tpu.memref_slice %arg3[%dma_start3A_569, %dma_start3A_570] : memref<100000x128xf32, #tpu.memory_space<hbm>> -> memref<100000x128xf32, #tpu.memory_space<hbm>>
      tpu.enqueue_indirect_dma source(%dma_start3A_571 : memref<100000x128xf32, #tpu.memory_space<hbm>>) target(%dma_start3A_566 : memref<64x128xf32, #tpu.memory_space<vmem>>) offsets(%dma_start3A_568 : memref<64xi32, #tpu.memory_space<vmem>>) semaphore(%arg13 : memref<!tpu.dma_semaphore, #tpu.memory_space<semaphore_mem>>)
      %gt3A_572 = arith.constant 0 : i32
      %gt3A_573 = arith.cmpi sgt, %add3A_170, %gt3A_572 : i32
      %convert_element_type3A_574 = arith.extui %gt3A_573 : i1 to i32
      %cond3A_575 = arith.constant 0 : i32
      %cond3A_576 = arith.cmpi ne, %convert_element_type3A_574, %cond3A_575 : i32
      scf.if %cond3A_576 {
        %dma_wait3A_1869 = arith.constant 7 : i32
        %dma_wait3A_1870 = arith.constant 0 : i32
        %dma_wait3A_1871 = arith.constant 0 : i32
        %dma_wait3A_1872 = arith.constant 0 : i32
        %dma_wait3A_1873 = tpu.memref_slice %arg6[%dma_wait3A_1869, %dma_wait3A_1871, %dma_wait3A_1872] : memref<10x64x128xf32, #tpu.memory_space<vmem>> -> memref<1x64x128xf32, #tpu.memory_space<vmem>>
        %dma_wait3A_1874 = tpu.memref_squeeze %dma_wait3A_1873 : memref<1x64x128xf32, #tpu.memory_space<vmem>> -> memref<64x128xf32, #tpu.memory_space<vmem>>
        %dma_wait3A_1875 = arith.constant 0 : i32
        %dma_wait3A_1876 = tpu.memref_slice %arg4[%dma_wait3A_1870, %mul3A_2, %dma_wait3A_1875] : memref<50x4096x128xf32, #tpu.memory_space<hbm>> -> memref<1x64x128xf32, #tpu.memory_space<hbm>>
        %dma_wait3A_1877 = tpu.memref_squeeze %dma_wait3A_1876 : memref<1x64x128xf32, #tpu.memory_space<hbm>> -> memref<64x128xf32, #tpu.memory_space<hbm>>
        %dma_wait3A_1878 = arith.constant 0 : i32
        %dma_wait3A_1879 = tpu.memref_slice %arg4[%dma_wait3A_1870, %mul3A_2, %dma_wait3A_1878] : memref<50x4096x128xf32, #tpu.memory_space<hbm>> -> memref<1x64x128xf32, #tpu.memory_space<hbm>>
        %dma_wait3A_1880 = tpu.memref_squeeze %dma_wait3A_1879 : memref<1x64x128xf32, #tpu.memory_space<hbm>> -> memref<64x128xf32, #tpu.memory_space<hbm>>
        %dma_wait3A_1881 = arith.constant 0 : i32
        %dma_wait3A_1882 = arith.constant 0 : i32
        %dma_wait3A_1883 = tpu.memref_slice %arg6[%dma_wait3A_1869, %dma_wait3A_1881, %dma_wait3A_1882] : memref<10x64x128xf32, #tpu.memory_space<vmem>> -> memref<1x64x128xf32, #tpu.memory_space<vmem>>
        %dma_wait3A_1884 = tpu.memref_squeeze %dma_wait3A_1883 : memref<1x64x128xf32, #tpu.memory_space<vmem>> -> memref<64x128xf32, #tpu.memory_space<vmem>>
        tpu.wait_dma2 semaphore(%arg24 : memref<!tpu.dma_semaphore, #tpu.memory_space<semaphore_mem>>) src(%dma_wait3A_1884 : memref<64x128xf32, #tpu.memory_space<vmem>>) dst(%dma_wait3A_1880 : memref<64x128xf32, #tpu.memory_space<hbm>>)
      } else {
      }
      %add3A_577 = arith.constant 7 : i32
      %add3A_578 = arith.addi %mul3A_172, %add3A_577 : i32
      %jit3A_579 = arith.constant 2 : i32
      %div3A_580 = arith.divsi %add3A_578, %jit3A_579 : i32
      %sign3A_581 = arith.constant 0 : i32
      %sign3A_582 = arith.cmpi sgt, %add3A_578, %sign3A_581 : i32
      %sign3A_583 = arith.extui %sign3A_582 : i1 to i32
      %sign3A_584 = arith.constant 0 : i32
      %sign3A_585 = arith.cmpi slt, %add3A_578, %sign3A_584 : i32
      %sign3A_586 = arith.extui %sign3A_585 : i1 to i32
      %sign3A_587 = arith.subi %sign3A_583, %sign3A_586 : i32
      %sign3A_588 = arith.constant 0 : i32
      %sign3A_589 = arith.cmpi sgt, %jit3A_579, %sign3A_588 : i32
      %sign3A_590 = arith.extui %sign3A_589 : i1 to i32
      %sign3A_591 = arith.constant 0 : i32
      %sign3A_592 = arith.cmpi slt, %jit3A_579, %sign3A_591 : i32
      %sign3A_593 = arith.extui %sign3A_592 : i1 to i32
      %sign3A_594 = arith.subi %sign3A_590, %sign3A_593 : i32
      %ne3A_595 = arith.cmpi ne, %sign3A_587, %sign3A_594 : i32
      %rem3A_596 = arith.remsi %add3A_578, %jit3A_579 : i32
      %ne3A_597 = arith.constant 0 : i32
      %ne3A_598 = arith.cmpi ne, %rem3A_596, %ne3A_597 : i32
      %and3A_599 = arith.andi %ne3A_595, %ne3A_598 : i1
      %sub3A_600 = arith.constant 1 : i32
      %sub3A_601 = arith.subi %div3A_580, %sub3A_600 : i32
      %select_n3A_602 = arith.select %and3A_599, %sub3A_601, %div3A_580 : i32
      %jit3A_603 = arith.constant 2 : i32
      %eq3A_604 = arith.constant 0 : i32
      %eq3A_605 = arith.cmpi eq, %jit3A_603, %eq3A_604 : i32
      %jit3A_606 = arith.constant 1 : i32
      %select_n3A_607 = arith.select %eq3A_605, %jit3A_606, %jit3A_603 : i32
      %rem3A_608 = arith.remsi %add3A_578, %select_n3A_607 : i32
      %ne3A_609 = arith.constant 0 : i32
      %ne3A_610 = arith.cmpi ne, %rem3A_608, %ne3A_609 : i32
      %lt3A_611 = arith.constant 0 : i32
      %lt3A_612 = arith.cmpi slt, %rem3A_608, %lt3A_611 : i32
      %lt3A_613 = arith.constant 0 : i32
      %lt3A_614 = arith.cmpi slt, %select_n3A_607, %lt3A_613 : i32
      %ne3A_615 = arith.xori %lt3A_612, %lt3A_614 : i1
      %and3A_616 = arith.andi %ne3A_615, %ne3A_610 : i1
      %add3A_617 = arith.addi %rem3A_608, %select_n3A_607 : i32
      %select_n3A_618 = arith.select %and3A_616, %add3A_617, %rem3A_608 : i32
      %mul3A_619 = arith.constant 64 : i32
      %mul3A_620 = arith.muli %select_n3A_618, %mul3A_619 : i32
      %dma_start3A_621 = arith.constant 7 : i32
      %dma_start3A_622 = arith.constant 0 : i32
      %dma_start3A_623 = arith.constant 0 : i32
      %dma_start3A_624 = tpu.memref_slice %arg6[%dma_start3A_621, %dma_start3A_622, %dma_start3A_623] : memref<10x64x128xf32, #tpu.memory_space<vmem>> -> memref<1x64x128xf32, #tpu.memory_space<vmem>>
      %dma_start3A_625 = tpu.memref_squeeze %dma_start3A_624 : memref<1x64x128xf32, #tpu.memory_space<vmem>> -> memref<64x128xf32, #tpu.memory_space<vmem>>
      %dma_start3A_626 = tpu.memref_slice %arg5[%select_n3A_602, %mul3A_620] : memref<50x128xi32, #tpu.memory_space<vmem>> -> memref<1x64xi32, #tpu.memory_space<vmem>>
      %dma_start3A_627 = tpu.memref_squeeze %dma_start3A_626 : memref<1x64xi32, #tpu.memory_space<vmem>> -> memref<64xi32, #tpu.memory_space<vmem>>
      %dma_start3A_628 = arith.constant 0 : i32
      %dma_start3A_629 = arith.constant 0 : i32
      %dma_start3A_630 = tpu.memref_slice %arg3[%dma_start3A_628, %dma_start3A_629] : memref<100000x128xf32, #tpu.memory_space<hbm>> -> memref<100000x128xf32, #tpu.memory_space<hbm>>
      tpu.enqueue_indirect_dma source(%dma_start3A_630 : memref<100000x128xf32, #tpu.memory_space<hbm>>) target(%dma_start3A_625 : memref<64x128xf32, #tpu.memory_space<vmem>>) offsets(%dma_start3A_627 : memref<64xi32, #tpu.memory_space<vmem>>) semaphore(%arg14 : memref<!tpu.dma_semaphore, #tpu.memory_space<semaphore_mem>>)
      %gt3A_631 = arith.constant 0 : i32
      %gt3A_632 = arith.cmpi sgt, %add3A_170, %gt3A_631 : i32
      %convert_element_type3A_633 = arith.extui %gt3A_632 : i1 to i32
      %cond3A_634 = arith.constant 0 : i32
      %cond3A_635 = arith.cmpi ne, %convert_element_type3A_633, %cond3A_634 : i32
      scf.if %cond3A_635 {
        %dma_wait3A_1869 = arith.constant 8 : i32
        %dma_wait3A_1870 = arith.constant 0 : i32
        %dma_wait3A_1871 = arith.constant 0 : i32
        %dma_wait3A_1872 = arith.constant 0 : i32
        %dma_wait3A_1873 = tpu.memref_slice %arg6[%dma_wait3A_1869, %dma_wait3A_1871, %dma_wait3A_1872] : memref<10x64x128xf32, #tpu.memory_space<vmem>> -> memref<1x64x128xf32, #tpu.memory_space<vmem>>
        %dma_wait3A_1874 = tpu.memref_squeeze %dma_wait3A_1873 : memref<1x64x128xf32, #tpu.memory_space<vmem>> -> memref<64x128xf32, #tpu.memory_space<vmem>>
        %dma_wait3A_1875 = arith.constant 0 : i32
        %dma_wait3A_1876 = tpu.memref_slice %arg4[%dma_wait3A_1870, %mul3A_2, %dma_wait3A_1875] : memref<50x4096x128xf32, #tpu.memory_space<hbm>> -> memref<1x64x128xf32, #tpu.memory_space<hbm>>
        %dma_wait3A_1877 = tpu.memref_squeeze %dma_wait3A_1876 : memref<1x64x128xf32, #tpu.memory_space<hbm>> -> memref<64x128xf32, #tpu.memory_space<hbm>>
        %dma_wait3A_1878 = arith.constant 0 : i32
        %dma_wait3A_1879 = tpu.memref_slice %arg4[%dma_wait3A_1870, %mul3A_2, %dma_wait3A_1878] : memref<50x4096x128xf32, #tpu.memory_space<hbm>> -> memref<1x64x128xf32, #tpu.memory_space<hbm>>
        %dma_wait3A_1880 = tpu.memref_squeeze %dma_wait3A_1879 : memref<1x64x128xf32, #tpu.memory_space<hbm>> -> memref<64x128xf32, #tpu.memory_space<hbm>>
        %dma_wait3A_1881 = arith.constant 0 : i32
        %dma_wait3A_1882 = arith.constant 0 : i32
        %dma_wait3A_1883 = tpu.memref_slice %arg6[%dma_wait3A_1869, %dma_wait3A_1881, %dma_wait3A_1882] : memref<10x64x128xf32, #tpu.memory_space<vmem>> -> memref<1x64x128xf32, #tpu.memory_space<vmem>>
        %dma_wait3A_1884 = tpu.memref_squeeze %dma_wait3A_1883 : memref<1x64x128xf32, #tpu.memory_space<vmem>> -> memref<64x128xf32, #tpu.memory_space<vmem>>
        tpu.wait_dma2 semaphore(%arg25 : memref<!tpu.dma_semaphore, #tpu.memory_space<semaphore_mem>>) src(%dma_wait3A_1884 : memref<64x128xf32, #tpu.memory_space<vmem>>) dst(%dma_wait3A_1880 : memref<64x128xf32, #tpu.memory_space<hbm>>)
      } else {
      }
      %add3A_636 = arith.constant 8 : i32
      %add3A_637 = arith.addi %mul3A_172, %add3A_636 : i32
      %jit3A_638 = arith.constant 2 : i32
      %div3A_639 = arith.divsi %add3A_637, %jit3A_638 : i32
      %sign3A_640 = arith.constant 0 : i32
      %sign3A_641 = arith.cmpi sgt, %add3A_637, %sign3A_640 : i32
      %sign3A_642 = arith.extui %sign3A_641 : i1 to i32
      %sign3A_643 = arith.constant 0 : i32
      %sign3A_644 = arith.cmpi slt, %add3A_637, %sign3A_643 : i32
      %sign3A_645 = arith.extui %sign3A_644 : i1 to i32
      %sign3A_646 = arith.subi %sign3A_642, %sign3A_645 : i32
      %sign3A_647 = arith.constant 0 : i32
      %sign3A_648 = arith.cmpi sgt, %jit3A_638, %sign3A_647 : i32
      %sign3A_649 = arith.extui %sign3A_648 : i1 to i32
      %sign3A_650 = arith.constant 0 : i32
      %sign3A_651 = arith.cmpi slt, %jit3A_638, %sign3A_650 : i32
      %sign3A_652 = arith.extui %sign3A_651 : i1 to i32
      %sign3A_653 = arith.subi %sign3A_649, %sign3A_652 : i32
      %ne3A_654 = arith.cmpi ne, %sign3A_646, %sign3A_653 : i32
      %rem3A_655 = arith.remsi %add3A_637, %jit3A_638 : i32
      %ne3A_656 = arith.constant 0 : i32
      %ne3A_657 = arith.cmpi ne, %rem3A_655, %ne3A_656 : i32
      %and3A_658 = arith.andi %ne3A_654, %ne3A_657 : i1
      %sub3A_659 = arith.constant 1 : i32
      %sub3A_660 = arith.subi %div3A_639, %sub3A_659 : i32
      %select_n3A_661 = arith.select %and3A_658, %sub3A_660, %div3A_639 : i32
      %jit3A_662 = arith.constant 2 : i32
      %eq3A_663 = arith.constant 0 : i32
      %eq3A_664 = arith.cmpi eq, %jit3A_662, %eq3A_663 : i32
      %jit3A_665 = arith.constant 1 : i32
      %select_n3A_666 = arith.select %eq3A_664, %jit3A_665, %jit3A_662 : i32
      %rem3A_667 = arith.remsi %add3A_637, %select_n3A_666 : i32
      %ne3A_668 = arith.constant 0 : i32
      %ne3A_669 = arith.cmpi ne, %rem3A_667, %ne3A_668 : i32
      %lt3A_670 = arith.constant 0 : i32
      %lt3A_671 = arith.cmpi slt, %rem3A_667, %lt3A_670 : i32
      %lt3A_672 = arith.constant 0 : i32
      %lt3A_673 = arith.cmpi slt, %select_n3A_666, %lt3A_672 : i32
      %ne3A_674 = arith.xori %lt3A_671, %lt3A_673 : i1
      %and3A_675 = arith.andi %ne3A_674, %ne3A_669 : i1
      %add3A_676 = arith.addi %rem3A_667, %select_n3A_666 : i32
      %select_n3A_677 = arith.select %and3A_675, %add3A_676, %rem3A_667 : i32
      %mul3A_678 = arith.constant 64 : i32
      %mul3A_679 = arith.muli %select_n3A_677, %mul3A_678 : i32
      %dma_start3A_680 = arith.constant 8 : i32
      %dma_start3A_681 = arith.constant 0 : i32
      %dma_start3A_682 = arith.constant 0 : i32
      %dma_start3A_683 = tpu.memref_slice %arg6[%dma_start3A_680, %dma_start3A_681, %dma_start3A_682] : memref<10x64x128xf32, #tpu.memory_space<vmem>> -> memref<1x64x128xf32, #tpu.memory_space<vmem>>
      %dma_start3A_684 = tpu.memref_squeeze %dma_start3A_683 : memref<1x64x128xf32, #tpu.memory_space<vmem>> -> memref<64x128xf32, #tpu.memory_space<vmem>>
      %dma_start3A_685 = tpu.memref_slice %arg5[%select_n3A_661, %mul3A_679] : memref<50x128xi32, #tpu.memory_space<vmem>> -> memref<1x64xi32, #tpu.memory_space<vmem>>
      %dma_start3A_686 = tpu.memref_squeeze %dma_start3A_685 : memref<1x64xi32, #tpu.memory_space<vmem>> -> memref<64xi32, #tpu.memory_space<vmem>>
      %dma_start3A_687 = arith.constant 0 : i32
      %dma_start3A_688 = arith.constant 0 : i32
      %dma_start3A_689 = tpu.memref_slice %arg3[%dma_start3A_687, %dma_start3A_688] : memref<100000x128xf32, #tpu.memory_space<hbm>> -> memref<100000x128xf32, #tpu.memory_space<hbm>>
      tpu.enqueue_indirect_dma source(%dma_start3A_689 : memref<100000x128xf32, #tpu.memory_space<hbm>>) target(%dma_start3A_684 : memref<64x128xf32, #tpu.memory_space<vmem>>) offsets(%dma_start3A_686 : memref<64xi32, #tpu.memory_space<vmem>>) semaphore(%arg15 : memref<!tpu.dma_semaphore, #tpu.memory_space<semaphore_mem>>)
      %gt3A_690 = arith.constant 0 : i32
      %gt3A_691 = arith.cmpi sgt, %add3A_170, %gt3A_690 : i32
      %convert_element_type3A_692 = arith.extui %gt3A_691 : i1 to i32
      %cond3A_693 = arith.constant 0 : i32
      %cond3A_694 = arith.cmpi ne, %convert_element_type3A_692, %cond3A_693 : i32
      scf.if %cond3A_694 {
        %dma_wait3A_1869 = arith.constant 9 : i32
        %dma_wait3A_1870 = arith.constant 0 : i32
        %dma_wait3A_1871 = arith.constant 0 : i32
        %dma_wait3A_1872 = arith.constant 0 : i32
        %dma_wait3A_1873 = tpu.memref_slice %arg6[%dma_wait3A_1869, %dma_wait3A_1871, %dma_wait3A_1872] : memref<10x64x128xf32, #tpu.memory_space<vmem>> -> memref<1x64x128xf32, #tpu.memory_space<vmem>>
        %dma_wait3A_1874 = tpu.memref_squeeze %dma_wait3A_1873 : memref<1x64x128xf32, #tpu.memory_space<vmem>> -> memref<64x128xf32, #tpu.memory_space<vmem>>
        %dma_wait3A_1875 = arith.constant 0 : i32
        %dma_wait3A_1876 = tpu.memref_slice %arg4[%dma_wait3A_1870, %mul3A_2, %dma_wait3A_1875] : memref<50x4096x128xf32, #tpu.memory_space<hbm>> -> memref<1x64x128xf32, #tpu.memory_space<hbm>>
        %dma_wait3A_1877 = tpu.memref_squeeze %dma_wait3A_1876 : memref<1x64x128xf32, #tpu.memory_space<hbm>> -> memref<64x128xf32, #tpu.memory_space<hbm>>
        %dma_wait3A_1878 = arith.constant 0 : i32
        %dma_wait3A_1879 = tpu.memref_slice %arg4[%dma_wait3A_1870, %mul3A_2, %dma_wait3A_1878] : memref<50x4096x128xf32, #tpu.memory_space<hbm>> -> memref<1x64x128xf32, #tpu.memory_space<hbm>>
        %dma_wait3A_1880 = tpu.memref_squeeze %dma_wait3A_1879 : memref<1x64x128xf32, #tpu.memory_space<hbm>> -> memref<64x128xf32, #tpu.memory_space<hbm>>
        %dma_wait3A_1881 = arith.constant 0 : i32
        %dma_wait3A_1882 = arith.constant 0 : i32
        %dma_wait3A_1883 = tpu.memref_slice %arg6[%dma_wait3A_1869, %dma_wait3A_1881, %dma_wait3A_1882] : memref<10x64x128xf32, #tpu.memory_space<vmem>> -> memref<1x64x128xf32, #tpu.memory_space<vmem>>
        %dma_wait3A_1884 = tpu.memref_squeeze %dma_wait3A_1883 : memref<1x64x128xf32, #tpu.memory_space<vmem>> -> memref<64x128xf32, #tpu.memory_space<vmem>>
        tpu.wait_dma2 semaphore(%arg26 : memref<!tpu.dma_semaphore, #tpu.memory_space<semaphore_mem>>) src(%dma_wait3A_1884 : memref<64x128xf32, #tpu.memory_space<vmem>>) dst(%dma_wait3A_1880 : memref<64x128xf32, #tpu.memory_space<hbm>>)
      } else {
      }
      %add3A_695 = arith.constant 9 : i32
      %add3A_696 = arith.addi %mul3A_172, %add3A_695 : i32
      %jit3A_697 = arith.constant 2 : i32
      %div3A_698 = arith.divsi %add3A_696, %jit3A_697 : i32
      %sign3A_699 = arith.constant 0 : i32
      %sign3A_700 = arith.cmpi sgt, %add3A_696, %sign3A_699 : i32
      %sign3A_701 = arith.extui %sign3A_700 : i1 to i32
      %sign3A_702 = arith.constant 0 : i32
      %sign3A_703 = arith.cmpi slt, %add3A_696, %sign3A_702 : i32
      %sign3A_704 = arith.extui %sign3A_703 : i1 to i32
      %sign3A_705 = arith.subi %sign3A_701, %sign3A_704 : i32
      %sign3A_706 = arith.constant 0 : i32
      %sign3A_707 = arith.cmpi sgt, %jit3A_697, %sign3A_706 : i32
      %sign3A_708 = arith.extui %sign3A_707 : i1 to i32
      %sign3A_709 = arith.constant 0 : i32
      %sign3A_710 = arith.cmpi slt, %jit3A_697, %sign3A_709 : i32
      %sign3A_711 = arith.extui %sign3A_710 : i1 to i32
      %sign3A_712 = arith.subi %sign3A_708, %sign3A_711 : i32
      %ne3A_713 = arith.cmpi ne, %sign3A_705, %sign3A_712 : i32
      %rem3A_714 = arith.remsi %add3A_696, %jit3A_697 : i32
      %ne3A_715 = arith.constant 0 : i32
      %ne3A_716 = arith.cmpi ne, %rem3A_714, %ne3A_715 : i32
      %and3A_717 = arith.andi %ne3A_713, %ne3A_716 : i1
      %sub3A_718 = arith.constant 1 : i32
      %sub3A_719 = arith.subi %div3A_698, %sub3A_718 : i32
      %select_n3A_720 = arith.select %and3A_717, %sub3A_719, %div3A_698 : i32
      %jit3A_721 = arith.constant 2 : i32
      %eq3A_722 = arith.constant 0 : i32
      %eq3A_723 = arith.cmpi eq, %jit3A_721, %eq3A_722 : i32
      %jit3A_724 = arith.constant 1 : i32
      %select_n3A_725 = arith.select %eq3A_723, %jit3A_724, %jit3A_721 : i32
      %rem3A_726 = arith.remsi %add3A_696, %select_n3A_725 : i32
      %ne3A_727 = arith.constant 0 : i32
      %ne3A_728 = arith.cmpi ne, %rem3A_726, %ne3A_727 : i32
      %lt3A_729 = arith.constant 0 : i32
      %lt3A_730 = arith.cmpi slt, %rem3A_726, %lt3A_729 : i32
      %lt3A_731 = arith.constant 0 : i32
      %lt3A_732 = arith.cmpi slt, %select_n3A_725, %lt3A_731 : i32
      %ne3A_733 = arith.xori %lt3A_730, %lt3A_732 : i1
      %and3A_734 = arith.andi %ne3A_733, %ne3A_728 : i1
      %add3A_735 = arith.addi %rem3A_726, %select_n3A_725 : i32
      %select_n3A_736 = arith.select %and3A_734, %add3A_735, %rem3A_726 : i32
      %mul3A_737 = arith.constant 64 : i32
      %mul3A_738 = arith.muli %select_n3A_736, %mul3A_737 : i32
      %dma_start3A_739 = arith.constant 9 : i32
      %dma_start3A_740 = arith.constant 0 : i32
      %dma_start3A_741 = arith.constant 0 : i32
      %dma_start3A_742 = tpu.memref_slice %arg6[%dma_start3A_739, %dma_start3A_740, %dma_start3A_741] : memref<10x64x128xf32, #tpu.memory_space<vmem>> -> memref<1x64x128xf32, #tpu.memory_space<vmem>>
      %dma_start3A_743 = tpu.memref_squeeze %dma_start3A_742 : memref<1x64x128xf32, #tpu.memory_space<vmem>> -> memref<64x128xf32, #tpu.memory_space<vmem>>
      %dma_start3A_744 = tpu.memref_slice %arg5[%select_n3A_720, %mul3A_738] : memref<50x128xi32, #tpu.memory_space<vmem>> -> memref<1x64xi32, #tpu.memory_space<vmem>>
      %dma_start3A_745 = tpu.memref_squeeze %dma_start3A_744 : memref<1x64xi32, #tpu.memory_space<vmem>> -> memref<64xi32, #tpu.memory_space<vmem>>
      %dma_start3A_746 = arith.constant 0 : i32
      %dma_start3A_747 = arith.constant 0 : i32
      %dma_start3A_748 = tpu.memref_slice %arg3[%dma_start3A_746, %dma_start3A_747] : memref<100000x128xf32, #tpu.memory_space<hbm>> -> memref<100000x128xf32, #tpu.memory_space<hbm>>
      tpu.enqueue_indirect_dma source(%dma_start3A_748 : memref<100000x128xf32, #tpu.memory_space<hbm>>) target(%dma_start3A_743 : memref<64x128xf32, #tpu.memory_space<vmem>>) offsets(%dma_start3A_745 : memref<64xi32, #tpu.memory_space<vmem>>) semaphore(%arg16 : memref<!tpu.dma_semaphore, #tpu.memory_space<semaphore_mem>>)
      %add3A_749 = arith.constant 0 : i32
      %add3A_750 = arith.addi %mul3A_172, %add3A_749 : i32
      %jit3A_751 = arith.constant 2 : i32
      %div3A_752 = arith.divsi %add3A_750, %jit3A_751 : i32
      %sign3A_753 = arith.constant 0 : i32
      %sign3A_754 = arith.cmpi sgt, %add3A_750, %sign3A_753 : i32
      %sign3A_755 = arith.extui %sign3A_754 : i1 to i32
      %sign3A_756 = arith.constant 0 : i32
      %sign3A_757 = arith.cmpi slt, %add3A_750, %sign3A_756 : i32
      %sign3A_758 = arith.extui %sign3A_757 : i1 to i32
      %sign3A_759 = arith.subi %sign3A_755, %sign3A_758 : i32
      %sign3A_760 = arith.constant 0 : i32
      %sign3A_761 = arith.cmpi sgt, %jit3A_751, %sign3A_760 : i32
      %sign3A_762 = arith.extui %sign3A_761 : i1 to i32
      %sign3A_763 = arith.constant 0 : i32
      %sign3A_764 = arith.cmpi slt, %jit3A_751, %sign3A_763 : i32
      %sign3A_765 = arith.extui %sign3A_764 : i1 to i32
      %sign3A_766 = arith.subi %sign3A_762, %sign3A_765 : i32
      %ne3A_767 = arith.cmpi ne, %sign3A_759, %sign3A_766 : i32
      %rem3A_768 = arith.remsi %add3A_750, %jit3A_751 : i32
      %ne3A_769 = arith.constant 0 : i32
      %ne3A_770 = arith.cmpi ne, %rem3A_768, %ne3A_769 : i32
      %and3A_771 = arith.andi %ne3A_767, %ne3A_770 : i1
      %sub3A_772 = arith.constant 1 : i32
      %sub3A_773 = arith.subi %div3A_752, %sub3A_772 : i32
      %select_n3A_774 = arith.select %and3A_771, %sub3A_773, %div3A_752 : i32
      %jit3A_775 = arith.constant 2 : i32
      %eq3A_776 = arith.constant 0 : i32
      %eq3A_777 = arith.cmpi eq, %jit3A_775, %eq3A_776 : i32
      %jit3A_778 = arith.constant 1 : i32
      %select_n3A_779 = arith.select %eq3A_777, %jit3A_778, %jit3A_775 : i32
      %rem3A_780 = arith.remsi %add3A_750, %select_n3A_779 : i32
      %ne3A_781 = arith.constant 0 : i32
      %ne3A_782 = arith.cmpi ne, %rem3A_780, %ne3A_781 : i32
      %lt3A_783 = arith.constant 0 : i32
      %lt3A_784 = arith.cmpi slt, %rem3A_780, %lt3A_783 : i32
      %lt3A_785 = arith.constant 0 : i32
      %lt3A_786 = arith.cmpi slt, %select_n3A_779, %lt3A_785 : i32
      %ne3A_787 = arith.xori %lt3A_784, %lt3A_786 : i1
      %and3A_788 = arith.andi %ne3A_787, %ne3A_782 : i1
      %add3A_789 = arith.addi %rem3A_780, %select_n3A_779 : i32
      %select_n3A_790 = arith.select %and3A_788, %add3A_789, %rem3A_780 : i32
      %mul3A_791 = arith.constant 64 : i32
      %mul3A_792 = arith.muli %select_n3A_790, %mul3A_791 : i32
      %dma_wait3A_793 = arith.constant 0 : i32
      %dma_wait3A_794 = arith.constant 0 : i32
      %dma_wait3A_795 = arith.constant 0 : i32
      %dma_wait3A_796 = tpu.memref_slice %arg6[%dma_wait3A_793, %dma_wait3A_794, %dma_wait3A_795] : memref<10x64x128xf32, #tpu.memory_space<vmem>> -> memref<1x64x128xf32, #tpu.memory_space<vmem>>
      %dma_wait3A_797 = tpu.memref_squeeze %dma_wait3A_796 : memref<1x64x128xf32, #tpu.memory_space<vmem>> -> memref<64x128xf32, #tpu.memory_space<vmem>>
      %dma_wait3A_798 = tpu.memref_slice %arg5[%select_n3A_774, %mul3A_792] : memref<50x128xi32, #tpu.memory_space<vmem>> -> memref<1x64xi32, #tpu.memory_space<vmem>>
      %dma_wait3A_799 = tpu.memref_squeeze %dma_wait3A_798 : memref<1x64xi32, #tpu.memory_space<vmem>> -> memref<64xi32, #tpu.memory_space<vmem>>
      %dma_wait3A_800 = arith.constant 0 : i32
      %dma_wait3A_801 = arith.constant 0 : i32
      %dma_wait3A_802 = tpu.memref_slice %arg3[%dma_wait3A_800, %dma_wait3A_801] : memref<100000x128xf32, #tpu.memory_space<hbm>> -> memref<100000x128xf32, #tpu.memory_space<hbm>>
      tpu.wait_indirect_dma semaphore(%arg7 : memref<!tpu.dma_semaphore, #tpu.memory_space<semaphore_mem>>) src(%dma_wait3A_802 : memref<100000x128xf32, #tpu.memory_space<hbm>>) dst(%dma_wait3A_797 : memref<64x128xf32, #tpu.memory_space<vmem>>)
      %jit3A_803 = arith.constant 2 : i32
      %div3A_804 = arith.divsi %add3A_750, %jit3A_803 : i32
      %sign3A_805 = arith.constant 0 : i32
      %sign3A_806 = arith.cmpi sgt, %add3A_750, %sign3A_805 : i32
      %sign3A_807 = arith.extui %sign3A_806 : i1 to i32
      %sign3A_808 = arith.constant 0 : i32
      %sign3A_809 = arith.cmpi slt, %add3A_750, %sign3A_808 : i32
      %sign3A_810 = arith.extui %sign3A_809 : i1 to i32
      %sign3A_811 = arith.subi %sign3A_807, %sign3A_810 : i32
      %sign3A_812 = arith.constant 0 : i32
      %sign3A_813 = arith.cmpi sgt, %jit3A_803, %sign3A_812 : i32
      %sign3A_814 = arith.extui %sign3A_813 : i1 to i32
      %sign3A_815 = arith.constant 0 : i32
      %sign3A_816 = arith.cmpi slt, %jit3A_803, %sign3A_815 : i32
      %sign3A_817 = arith.extui %sign3A_816 : i1 to i32
      %sign3A_818 = arith.subi %sign3A_814, %sign3A_817 : i32
      %ne3A_819 = arith.cmpi ne, %sign3A_811, %sign3A_818 : i32
      %rem3A_820 = arith.remsi %add3A_750, %jit3A_803 : i32
      %ne3A_821 = arith.constant 0 : i32
      %ne3A_822 = arith.cmpi ne, %rem3A_820, %ne3A_821 : i32
      %and3A_823 = arith.andi %ne3A_819, %ne3A_822 : i1
      %sub3A_824 = arith.constant 1 : i32
      %sub3A_825 = arith.subi %div3A_804, %sub3A_824 : i32
      %select_n3A_826 = arith.select %and3A_823, %sub3A_825, %div3A_804 : i32
      %jit3A_827 = arith.constant 2 : i32
      %eq3A_828 = arith.constant 0 : i32
      %eq3A_829 = arith.cmpi eq, %jit3A_827, %eq3A_828 : i32
      %jit3A_830 = arith.constant 1 : i32
      %select_n3A_831 = arith.select %eq3A_829, %jit3A_830, %jit3A_827 : i32
      %rem3A_832 = arith.remsi %add3A_750, %select_n3A_831 : i32
      %ne3A_833 = arith.constant 0 : i32
      %ne3A_834 = arith.cmpi ne, %rem3A_832, %ne3A_833 : i32
      %lt3A_835 = arith.constant 0 : i32
      %lt3A_836 = arith.cmpi slt, %rem3A_832, %lt3A_835 : i32
      %lt3A_837 = arith.constant 0 : i32
      %lt3A_838 = arith.cmpi slt, %select_n3A_831, %lt3A_837 : i32
      %ne3A_839 = arith.xori %lt3A_836, %lt3A_838 : i1
      %and3A_840 = arith.andi %ne3A_839, %ne3A_834 : i1
      %add3A_841 = arith.addi %rem3A_832, %select_n3A_831 : i32
      %select_n3A_842 = arith.select %and3A_840, %add3A_841, %rem3A_832 : i32
      %mul3A_843 = arith.constant 64 : i32
      %mul3A_844 = arith.muli %select_n3A_842, %mul3A_843 : i32
      %add3A_845 = arith.addi %mul3A_2, %mul3A_844 : i32
      %dma_start3A_846 = arith.constant 0 : i32
      %dma_start3A_847 = arith.constant 0 : i32
      %dma_start3A_848 = arith.constant 0 : i32
      %dma_start3A_849 = tpu.memref_slice %arg6[%dma_start3A_846, %dma_start3A_847, %dma_start3A_848] : memref<10x64x128xf32, #tpu.memory_space<vmem>> -> memref<1x64x128xf32, #tpu.memory_space<vmem>>
      %dma_start3A_850 = tpu.memref_squeeze %dma_start3A_849 : memref<1x64x128xf32, #tpu.memory_space<vmem>> -> memref<64x128xf32, #tpu.memory_space<vmem>>
      %dma_start3A_851 = arith.constant 0 : i32
      %dma_start3A_852 = tpu.memref_slice %arg4[%select_n3A_826, %add3A_845, %dma_start3A_851] : memref<50x4096x128xf32, #tpu.memory_space<hbm>> -> memref<1x64x128xf32, #tpu.memory_space<hbm>>
      %dma_start3A_853 = tpu.memref_squeeze %dma_start3A_852 : memref<1x64x128xf32, #tpu.memory_space<hbm>> -> memref<64x128xf32, #tpu.memory_space<hbm>>
      %dma_start3A_854 = arith.constant 0 : i32
      %dma_start3A_855 = tpu.memref_slice %arg4[%select_n3A_826, %add3A_845, %dma_start3A_854] : memref<50x4096x128xf32, #tpu.memory_space<hbm>> -> memref<1x64x128xf32, #tpu.memory_space<hbm>>
      %dma_start3A_856 = tpu.memref_squeeze %dma_start3A_855 : memref<1x64x128xf32, #tpu.memory_space<hbm>> -> memref<64x128xf32, #tpu.memory_space<hbm>>
      %dma_start3A_857 = arith.constant 0 : i32
      %dma_start3A_858 = arith.constant 0 : i32
      %dma_start3A_859 = tpu.memref_slice %arg6[%dma_start3A_846, %dma_start3A_857, %dma_start3A_858] : memref<10x64x128xf32, #tpu.memory_space<vmem>> -> memref<1x64x128xf32, #tpu.memory_space<vmem>>
      %dma_start3A_860 = tpu.memref_squeeze %dma_start3A_859 : memref<1x64x128xf32, #tpu.memory_space<vmem>> -> memref<64x128xf32, #tpu.memory_space<vmem>>
      tpu.enqueue_dma source(%dma_start3A_860 : memref<64x128xf32, #tpu.memory_space<vmem>>) target(%dma_start3A_856 : memref<64x128xf32, #tpu.memory_space<hbm>>) target_semaphore(%arg17 : memref<!tpu.dma_semaphore, #tpu.memory_space<semaphore_mem>>)
      %add3A_861 = arith.constant 1 : i32
      %add3A_862 = arith.addi %mul3A_172, %add3A_861 : i32
      %jit3A_863 = arith.constant 2 : i32
      %div3A_864 = arith.divsi %add3A_862, %jit3A_863 : i32
      %sign3A_865 = arith.constant 0 : i32
      %sign3A_866 = arith.cmpi sgt, %add3A_862, %sign3A_865 : i32
      %sign3A_867 = arith.extui %sign3A_866 : i1 to i32
      %sign3A_868 = arith.constant 0 : i32
      %sign3A_869 = arith.cmpi slt, %add3A_862, %sign3A_868 : i32
      %sign3A_870 = arith.extui %sign3A_869 : i1 to i32
      %sign3A_871 = arith.subi %sign3A_867, %sign3A_870 : i32
      %sign3A_872 = arith.constant 0 : i32
      %sign3A_873 = arith.cmpi sgt, %jit3A_863, %sign3A_872 : i32
      %sign3A_874 = arith.extui %sign3A_873 : i1 to i32
      %sign3A_875 = arith.constant 0 : i32
      %sign3A_876 = arith.cmpi slt, %jit3A_863, %sign3A_875 : i32
      %sign3A_877 = arith.extui %sign3A_876 : i1 to i32
      %sign3A_878 = arith.subi %sign3A_874, %sign3A_877 : i32
      %ne3A_879 = arith.cmpi ne, %sign3A_871, %sign3A_878 : i32
      %rem3A_880 = arith.remsi %add3A_862, %jit3A_863 : i32
      %ne3A_881 = arith.constant 0 : i32
      %ne3A_882 = arith.cmpi ne, %rem3A_880, %ne3A_881 : i32
      %and3A_883 = arith.andi %ne3A_879, %ne3A_882 : i1
      %sub3A_884 = arith.constant 1 : i32
      %sub3A_885 = arith.subi %div3A_864, %sub3A_884 : i32
      %select_n3A_886 = arith.select %and3A_883, %sub3A_885, %div3A_864 : i32
      %jit3A_887 = arith.constant 2 : i32
      %eq3A_888 = arith.constant 0 : i32
      %eq3A_889 = arith.cmpi eq, %jit3A_887, %eq3A_888 : i32
      %jit3A_890 = arith.constant 1 : i32
      %select_n3A_891 = arith.select %eq3A_889, %jit3A_890, %jit3A_887 : i32
      %rem3A_892 = arith.remsi %add3A_862, %select_n3A_891 : i32
      %ne3A_893 = arith.constant 0 : i32
      %ne3A_894 = arith.cmpi ne, %rem3A_892, %ne3A_893 : i32
      %lt3A_895 = arith.constant 0 : i32
      %lt3A_896 = arith.cmpi slt, %rem3A_892, %lt3A_895 : i32
      %lt3A_897 = arith.constant 0 : i32
      %lt3A_898 = arith.cmpi slt, %select_n3A_891, %lt3A_897 : i32
      %ne3A_899 = arith.xori %lt3A_896, %lt3A_898 : i1
      %and3A_900 = arith.andi %ne3A_899, %ne3A_894 : i1
      %add3A_901 = arith.addi %rem3A_892, %select_n3A_891 : i32
      %select_n3A_902 = arith.select %and3A_900, %add3A_901, %rem3A_892 : i32
      %mul3A_903 = arith.constant 64 : i32
      %mul3A_904 = arith.muli %select_n3A_902, %mul3A_903 : i32
      %dma_wait3A_905 = arith.constant 1 : i32
      %dma_wait3A_906 = arith.constant 0 : i32
      %dma_wait3A_907 = arith.constant 0 : i32
      %dma_wait3A_908 = tpu.memref_slice %arg6[%dma_wait3A_905, %dma_wait3A_906, %dma_wait3A_907] : memref<10x64x128xf32, #tpu.memory_space<vmem>> -> memref<1x64x128xf32, #tpu.memory_space<vmem>>
      %dma_wait3A_909 = tpu.memref_squeeze %dma_wait3A_908 : memref<1x64x128xf32, #tpu.memory_space<vmem>> -> memref<64x128xf32, #tpu.memory_space<vmem>>
      %dma_wait3A_910 = tpu.memref_slice %arg5[%select_n3A_886, %mul3A_904] : memref<50x128xi32, #tpu.memory_space<vmem>> -> memref<1x64xi32, #tpu.memory_space<vmem>>
      %dma_wait3A_911 = tpu.memref_squeeze %dma_wait3A_910 : memref<1x64xi32, #tpu.memory_space<vmem>> -> memref<64xi32, #tpu.memory_space<vmem>>
      %dma_wait3A_912 = arith.constant 0 : i32
      %dma_wait3A_913 = arith.constant 0 : i32
      %dma_wait3A_914 = tpu.memref_slice %arg3[%dma_wait3A_912, %dma_wait3A_913] : memref<100000x128xf32, #tpu.memory_space<hbm>> -> memref<100000x128xf32, #tpu.memory_space<hbm>>
      tpu.wait_indirect_dma semaphore(%arg8 : memref<!tpu.dma_semaphore, #tpu.memory_space<semaphore_mem>>) src(%dma_wait3A_914 : memref<100000x128xf32, #tpu.memory_space<hbm>>) dst(%dma_wait3A_909 : memref<64x128xf32, #tpu.memory_space<vmem>>)
      %jit3A_915 = arith.constant 2 : i32
      %div3A_916 = arith.divsi %add3A_862, %jit3A_915 : i32
      %sign3A_917 = arith.constant 0 : i32
      %sign3A_918 = arith.cmpi sgt, %add3A_862, %sign3A_917 : i32
      %sign3A_919 = arith.extui %sign3A_918 : i1 to i32
      %sign3A_920 = arith.constant 0 : i32
      %sign3A_921 = arith.cmpi slt, %add3A_862, %sign3A_920 : i32
      %sign3A_922 = arith.extui %sign3A_921 : i1 to i32
      %sign3A_923 = arith.subi %sign3A_919, %sign3A_922 : i32
      %sign3A_924 = arith.constant 0 : i32
      %sign3A_925 = arith.cmpi sgt, %jit3A_915, %sign3A_924 : i32
      %sign3A_926 = arith.extui %sign3A_925 : i1 to i32
      %sign3A_927 = arith.constant 0 : i32
      %sign3A_928 = arith.cmpi slt, %jit3A_915, %sign3A_927 : i32
      %sign3A_929 = arith.extui %sign3A_928 : i1 to i32
      %sign3A_930 = arith.subi %sign3A_926, %sign3A_929 : i32
      %ne3A_931 = arith.cmpi ne, %sign3A_923, %sign3A_930 : i32
      %rem3A_932 = arith.remsi %add3A_862, %jit3A_915 : i32
      %ne3A_933 = arith.constant 0 : i32
      %ne3A_934 = arith.cmpi ne, %rem3A_932, %ne3A_933 : i32
      %and3A_935 = arith.andi %ne3A_931, %ne3A_934 : i1
      %sub3A_936 = arith.constant 1 : i32
      %sub3A_937 = arith.subi %div3A_916, %sub3A_936 : i32
      %select_n3A_938 = arith.select %and3A_935, %sub3A_937, %div3A_916 : i32
      %jit3A_939 = arith.constant 2 : i32
      %eq3A_940 = arith.constant 0 : i32
      %eq3A_941 = arith.cmpi eq, %jit3A_939, %eq3A_940 : i32
      %jit3A_942 = arith.constant 1 : i32
      %select_n3A_943 = arith.select %eq3A_941, %jit3A_942, %jit3A_939 : i32
      %rem3A_944 = arith.remsi %add3A_862, %select_n3A_943 : i32
      %ne3A_945 = arith.constant 0 : i32
      %ne3A_946 = arith.cmpi ne, %rem3A_944, %ne3A_945 : i32
      %lt3A_947 = arith.constant 0 : i32
      %lt3A_948 = arith.cmpi slt, %rem3A_944, %lt3A_947 : i32
      %lt3A_949 = arith.constant 0 : i32
      %lt3A_950 = arith.cmpi slt, %select_n3A_943, %lt3A_949 : i32
      %ne3A_951 = arith.xori %lt3A_948, %lt3A_950 : i1
      %and3A_952 = arith.andi %ne3A_951, %ne3A_946 : i1
      %add3A_953 = arith.addi %rem3A_944, %select_n3A_943 : i32
      %select_n3A_954 = arith.select %and3A_952, %add3A_953, %rem3A_944 : i32
      %mul3A_955 = arith.constant 64 : i32
      %mul3A_956 = arith.muli %select_n3A_954, %mul3A_955 : i32
      %add3A_957 = arith.addi %mul3A_2, %mul3A_956 : i32
      %dma_start3A_958 = arith.constant 1 : i32
      %dma_start3A_959 = arith.constant 0 : i32
      %dma_start3A_960 = arith.constant 0 : i32
      %dma_start3A_961 = tpu.memref_slice %arg6[%dma_start3A_958, %dma_start3A_959, %dma_start3A_960] : memref<10x64x128xf32, #tpu.memory_space<vmem>> -> memref<1x64x128xf32, #tpu.memory_space<vmem>>
      %dma_start3A_962 = tpu.memref_squeeze %dma_start3A_961 : memref<1x64x128xf32, #tpu.memory_space<vmem>> -> memref<64x128xf32, #tpu.memory_space<vmem>>
      %dma_start3A_963 = arith.constant 0 : i32
      %dma_start3A_964 = tpu.memref_slice %arg4[%select_n3A_938, %add3A_957, %dma_start3A_963] : memref<50x4096x128xf32, #tpu.memory_space<hbm>> -> memref<1x64x128xf32, #tpu.memory_space<hbm>>
      %dma_start3A_965 = tpu.memref_squeeze %dma_start3A_964 : memref<1x64x128xf32, #tpu.memory_space<hbm>> -> memref<64x128xf32, #tpu.memory_space<hbm>>
      %dma_start3A_966 = arith.constant 0 : i32
      %dma_start3A_967 = tpu.memref_slice %arg4[%select_n3A_938, %add3A_957, %dma_start3A_966] : memref<50x4096x128xf32, #tpu.memory_space<hbm>> -> memref<1x64x128xf32, #tpu.memory_space<hbm>>
      %dma_start3A_968 = tpu.memref_squeeze %dma_start3A_967 : memref<1x64x128xf32, #tpu.memory_space<hbm>> -> memref<64x128xf32, #tpu.memory_space<hbm>>
      %dma_start3A_969 = arith.constant 0 : i32
      %dma_start3A_970 = arith.constant 0 : i32
      %dma_start3A_971 = tpu.memref_slice %arg6[%dma_start3A_958, %dma_start3A_969, %dma_start3A_970] : memref<10x64x128xf32, #tpu.memory_space<vmem>> -> memref<1x64x128xf32, #tpu.memory_space<vmem>>
      %dma_start3A_972 = tpu.memref_squeeze %dma_start3A_971 : memref<1x64x128xf32, #tpu.memory_space<vmem>> -> memref<64x128xf32, #tpu.memory_space<vmem>>
      tpu.enqueue_dma source(%dma_start3A_972 : memref<64x128xf32, #tpu.memory_space<vmem>>) target(%dma_start3A_968 : memref<64x128xf32, #tpu.memory_space<hbm>>) target_semaphore(%arg18 : memref<!tpu.dma_semaphore, #tpu.memory_space<semaphore_mem>>)
      %add3A_973 = arith.constant 2 : i32
      %add3A_974 = arith.addi %mul3A_172, %add3A_973 : i32
      %jit3A_975 = arith.constant 2 : i32
      %div3A_976 = arith.divsi %add3A_974, %jit3A_975 : i32
      %sign3A_977 = arith.constant 0 : i32
      %sign3A_978 = arith.cmpi sgt, %add3A_974, %sign3A_977 : i32
      %sign3A_979 = arith.extui %sign3A_978 : i1 to i32
      %sign3A_980 = arith.constant 0 : i32
      %sign3A_981 = arith.cmpi slt, %add3A_974, %sign3A_980 : i32
      %sign3A_982 = arith.extui %sign3A_981 : i1 to i32
      %sign3A_983 = arith.subi %sign3A_979, %sign3A_982 : i32
      %sign3A_984 = arith.constant 0 : i32
      %sign3A_985 = arith.cmpi sgt, %jit3A_975, %sign3A_984 : i32
      %sign3A_986 = arith.extui %sign3A_985 : i1 to i32
      %sign3A_987 = arith.constant 0 : i32
      %sign3A_988 = arith.cmpi slt, %jit3A_975, %sign3A_987 : i32
      %sign3A_989 = arith.extui %sign3A_988 : i1 to i32
      %sign3A_990 = arith.subi %sign3A_986, %sign3A_989 : i32
      %ne3A_991 = arith.cmpi ne, %sign3A_983, %sign3A_990 : i32
      %rem3A_992 = arith.remsi %add3A_974, %jit3A_975 : i32
      %ne3A_993 = arith.constant 0 : i32
      %ne3A_994 = arith.cmpi ne, %rem3A_992, %ne3A_993 : i32
      %and3A_995 = arith.andi %ne3A_991, %ne3A_994 : i1
      %sub3A_996 = arith.constant 1 : i32
      %sub3A_997 = arith.subi %div3A_976, %sub3A_996 : i32
      %select_n3A_998 = arith.select %and3A_995, %sub3A_997, %div3A_976 : i32
      %jit3A_999 = arith.constant 2 : i32
      %eq3A_1000 = arith.constant 0 : i32
      %eq3A_1001 = arith.cmpi eq, %jit3A_999, %eq3A_1000 : i32
      %jit3A_1002 = arith.constant 1 : i32
      %select_n3A_1003 = arith.select %eq3A_1001, %jit3A_1002, %jit3A_999 : i32
      %rem3A_1004 = arith.remsi %add3A_974, %select_n3A_1003 : i32
      %ne3A_1005 = arith.constant 0 : i32
      %ne3A_1006 = arith.cmpi ne, %rem3A_1004, %ne3A_1005 : i32
      %lt3A_1007 = arith.constant 0 : i32
      %lt3A_1008 = arith.cmpi slt, %rem3A_1004, %lt3A_1007 : i32
      %lt3A_1009 = arith.constant 0 : i32
      %lt3A_1010 = arith.cmpi slt, %select_n3A_1003, %lt3A_1009 : i32
      %ne3A_1011 = arith.xori %lt3A_1008, %lt3A_1010 : i1
      %and3A_1012 = arith.andi %ne3A_1011, %ne3A_1006 : i1
      %add3A_1013 = arith.addi %rem3A_1004, %select_n3A_1003 : i32
      %select_n3A_1014 = arith.select %and3A_1012, %add3A_1013, %rem3A_1004 : i32
      %mul3A_1015 = arith.constant 64 : i32
      %mul3A_1016 = arith.muli %select_n3A_1014, %mul3A_1015 : i32
      %dma_wait3A_1017 = arith.constant 2 : i32
      %dma_wait3A_1018 = arith.constant 0 : i32
      %dma_wait3A_1019 = arith.constant 0 : i32
      %dma_wait3A_1020 = tpu.memref_slice %arg6[%dma_wait3A_1017, %dma_wait3A_1018, %dma_wait3A_1019] : memref<10x64x128xf32, #tpu.memory_space<vmem>> -> memref<1x64x128xf32, #tpu.memory_space<vmem>>
      %dma_wait3A_1021 = tpu.memref_squeeze %dma_wait3A_1020 : memref<1x64x128xf32, #tpu.memory_space<vmem>> -> memref<64x128xf32, #tpu.memory_space<vmem>>
      %dma_wait3A_1022 = tpu.memref_slice %arg5[%select_n3A_998, %mul3A_1016] : memref<50x128xi32, #tpu.memory_space<vmem>> -> memref<1x64xi32, #tpu.memory_space<vmem>>
      %dma_wait3A_1023 = tpu.memref_squeeze %dma_wait3A_1022 : memref<1x64xi32, #tpu.memory_space<vmem>> -> memref<64xi32, #tpu.memory_space<vmem>>
      %dma_wait3A_1024 = arith.constant 0 : i32
      %dma_wait3A_1025 = arith.constant 0 : i32
      %dma_wait3A_1026 = tpu.memref_slice %arg3[%dma_wait3A_1024, %dma_wait3A_1025] : memref<100000x128xf32, #tpu.memory_space<hbm>> -> memref<100000x128xf32, #tpu.memory_space<hbm>>
      tpu.wait_indirect_dma semaphore(%arg9 : memref<!tpu.dma_semaphore, #tpu.memory_space<semaphore_mem>>) src(%dma_wait3A_1026 : memref<100000x128xf32, #tpu.memory_space<hbm>>) dst(%dma_wait3A_1021 : memref<64x128xf32, #tpu.memory_space<vmem>>)
      %jit3A_1027 = arith.constant 2 : i32
      %div3A_1028 = arith.divsi %add3A_974, %jit3A_1027 : i32
      %sign3A_1029 = arith.constant 0 : i32
      %sign3A_1030 = arith.cmpi sgt, %add3A_974, %sign3A_1029 : i32
      %sign3A_1031 = arith.extui %sign3A_1030 : i1 to i32
      %sign3A_1032 = arith.constant 0 : i32
      %sign3A_1033 = arith.cmpi slt, %add3A_974, %sign3A_1032 : i32
      %sign3A_1034 = arith.extui %sign3A_1033 : i1 to i32
      %sign3A_1035 = arith.subi %sign3A_1031, %sign3A_1034 : i32
      %sign3A_1036 = arith.constant 0 : i32
      %sign3A_1037 = arith.cmpi sgt, %jit3A_1027, %sign3A_1036 : i32
      %sign3A_1038 = arith.extui %sign3A_1037 : i1 to i32
      %sign3A_1039 = arith.constant 0 : i32
      %sign3A_1040 = arith.cmpi slt, %jit3A_1027, %sign3A_1039 : i32
      %sign3A_1041 = arith.extui %sign3A_1040 : i1 to i32
      %sign3A_1042 = arith.subi %sign3A_1038, %sign3A_1041 : i32
      %ne3A_1043 = arith.cmpi ne, %sign3A_1035, %sign3A_1042 : i32
      %rem3A_1044 = arith.remsi %add3A_974, %jit3A_1027 : i32
      %ne3A_1045 = arith.constant 0 : i32
      %ne3A_1046 = arith.cmpi ne, %rem3A_1044, %ne3A_1045 : i32
      %and3A_1047 = arith.andi %ne3A_1043, %ne3A_1046 : i1
      %sub3A_1048 = arith.constant 1 : i32
      %sub3A_1049 = arith.subi %div3A_1028, %sub3A_1048 : i32
      %select_n3A_1050 = arith.select %and3A_1047, %sub3A_1049, %div3A_1028 : i32
      %jit3A_1051 = arith.constant 2 : i32
      %eq3A_1052 = arith.constant 0 : i32
      %eq3A_1053 = arith.cmpi eq, %jit3A_1051, %eq3A_1052 : i32
      %jit3A_1054 = arith.constant 1 : i32
      %select_n3A_1055 = arith.select %eq3A_1053, %jit3A_1054, %jit3A_1051 : i32
      %rem3A_1056 = arith.remsi %add3A_974, %select_n3A_1055 : i32
      %ne3A_1057 = arith.constant 0 : i32
      %ne3A_1058 = arith.cmpi ne, %rem3A_1056, %ne3A_1057 : i32
      %lt3A_1059 = arith.constant 0 : i32
      %lt3A_1060 = arith.cmpi slt, %rem3A_1056, %lt3A_1059 : i32
      %lt3A_1061 = arith.constant 0 : i32
      %lt3A_1062 = arith.cmpi slt, %select_n3A_1055, %lt3A_1061 : i32
      %ne3A_1063 = arith.xori %lt3A_1060, %lt3A_1062 : i1
      %and3A_1064 = arith.andi %ne3A_1063, %ne3A_1058 : i1
      %add3A_1065 = arith.addi %rem3A_1056, %select_n3A_1055 : i32
      %select_n3A_1066 = arith.select %and3A_1064, %add3A_1065, %rem3A_1056 : i32
      %mul3A_1067 = arith.constant 64 : i32
      %mul3A_1068 = arith.muli %select_n3A_1066, %mul3A_1067 : i32
      %add3A_1069 = arith.addi %mul3A_2, %mul3A_1068 : i32
      %dma_start3A_1070 = arith.constant 2 : i32
      %dma_start3A_1071 = arith.constant 0 : i32
      %dma_start3A_1072 = arith.constant 0 : i32
      %dma_start3A_1073 = tpu.memref_slice %arg6[%dma_start3A_1070, %dma_start3A_1071, %dma_start3A_1072] : memref<10x64x128xf32, #tpu.memory_space<vmem>> -> memref<1x64x128xf32, #tpu.memory_space<vmem>>
      %dma_start3A_1074 = tpu.memref_squeeze %dma_start3A_1073 : memref<1x64x128xf32, #tpu.memory_space<vmem>> -> memref<64x128xf32, #tpu.memory_space<vmem>>
      %dma_start3A_1075 = arith.constant 0 : i32
      %dma_start3A_1076 = tpu.memref_slice %arg4[%select_n3A_1050, %add3A_1069, %dma_start3A_1075] : memref<50x4096x128xf32, #tpu.memory_space<hbm>> -> memref<1x64x128xf32, #tpu.memory_space<hbm>>
      %dma_start3A_1077 = tpu.memref_squeeze %dma_start3A_1076 : memref<1x64x128xf32, #tpu.memory_space<hbm>> -> memref<64x128xf32, #tpu.memory_space<hbm>>
      %dma_start3A_1078 = arith.constant 0 : i32
      %dma_start3A_1079 = tpu.memref_slice %arg4[%select_n3A_1050, %add3A_1069, %dma_start3A_1078] : memref<50x4096x128xf32, #tpu.memory_space<hbm>> -> memref<1x64x128xf32, #tpu.memory_space<hbm>>
      %dma_start3A_1080 = tpu.memref_squeeze %dma_start3A_1079 : memref<1x64x128xf32, #tpu.memory_space<hbm>> -> memref<64x128xf32, #tpu.memory_space<hbm>>
      %dma_start3A_1081 = arith.constant 0 : i32
      %dma_start3A_1082 = arith.constant 0 : i32
      %dma_start3A_1083 = tpu.memref_slice %arg6[%dma_start3A_1070, %dma_start3A_1081, %dma_start3A_1082] : memref<10x64x128xf32, #tpu.memory_space<vmem>> -> memref<1x64x128xf32, #tpu.memory_space<vmem>>
      %dma_start3A_1084 = tpu.memref_squeeze %dma_start3A_1083 : memref<1x64x128xf32, #tpu.memory_space<vmem>> -> memref<64x128xf32, #tpu.memory_space<vmem>>
      tpu.enqueue_dma source(%dma_start3A_1084 : memref<64x128xf32, #tpu.memory_space<vmem>>) target(%dma_start3A_1080 : memref<64x128xf32, #tpu.memory_space<hbm>>) target_semaphore(%arg19 : memref<!tpu.dma_semaphore, #tpu.memory_space<semaphore_mem>>)
      %add3A_1085 = arith.constant 3 : i32
      %add3A_1086 = arith.addi %mul3A_172, %add3A_1085 : i32
      %jit3A_1087 = arith.constant 2 : i32
      %div3A_1088 = arith.divsi %add3A_1086, %jit3A_1087 : i32
      %sign3A_1089 = arith.constant 0 : i32
      %sign3A_1090 = arith.cmpi sgt, %add3A_1086, %sign3A_1089 : i32
      %sign3A_1091 = arith.extui %sign3A_1090 : i1 to i32
      %sign3A_1092 = arith.constant 0 : i32
      %sign3A_1093 = arith.cmpi slt, %add3A_1086, %sign3A_1092 : i32
      %sign3A_1094 = arith.extui %sign3A_1093 : i1 to i32
      %sign3A_1095 = arith.subi %sign3A_1091, %sign3A_1094 : i32
      %sign3A_1096 = arith.constant 0 : i32
      %sign3A_1097 = arith.cmpi sgt, %jit3A_1087, %sign3A_1096 : i32
      %sign3A_1098 = arith.extui %sign3A_1097 : i1 to i32
      %sign3A_1099 = arith.constant 0 : i32
      %sign3A_1100 = arith.cmpi slt, %jit3A_1087, %sign3A_1099 : i32
      %sign3A_1101 = arith.extui %sign3A_1100 : i1 to i32
      %sign3A_1102 = arith.subi %sign3A_1098, %sign3A_1101 : i32
      %ne3A_1103 = arith.cmpi ne, %sign3A_1095, %sign3A_1102 : i32
      %rem3A_1104 = arith.remsi %add3A_1086, %jit3A_1087 : i32
      %ne3A_1105 = arith.constant 0 : i32
      %ne3A_1106 = arith.cmpi ne, %rem3A_1104, %ne3A_1105 : i32
      %and3A_1107 = arith.andi %ne3A_1103, %ne3A_1106 : i1
      %sub3A_1108 = arith.constant 1 : i32
      %sub3A_1109 = arith.subi %div3A_1088, %sub3A_1108 : i32
      %select_n3A_1110 = arith.select %and3A_1107, %sub3A_1109, %div3A_1088 : i32
      %jit3A_1111 = arith.constant 2 : i32
      %eq3A_1112 = arith.constant 0 : i32
      %eq3A_1113 = arith.cmpi eq, %jit3A_1111, %eq3A_1112 : i32
      %jit3A_1114 = arith.constant 1 : i32
      %select_n3A_1115 = arith.select %eq3A_1113, %jit3A_1114, %jit3A_1111 : i32
      %rem3A_1116 = arith.remsi %add3A_1086, %select_n3A_1115 : i32
      %ne3A_1117 = arith.constant 0 : i32
      %ne3A_1118 = arith.cmpi ne, %rem3A_1116, %ne3A_1117 : i32
      %lt3A_1119 = arith.constant 0 : i32
      %lt3A_1120 = arith.cmpi slt, %rem3A_1116, %lt3A_1119 : i32
      %lt3A_1121 = arith.constant 0 : i32
      %lt3A_1122 = arith.cmpi slt, %select_n3A_1115, %lt3A_1121 : i32
      %ne3A_1123 = arith.xori %lt3A_1120, %lt3A_1122 : i1
      %and3A_1124 = arith.andi %ne3A_1123, %ne3A_1118 : i1
      %add3A_1125 = arith.addi %rem3A_1116, %select_n3A_1115 : i32
      %select_n3A_1126 = arith.select %and3A_1124, %add3A_1125, %rem3A_1116 : i32
      %mul3A_1127 = arith.constant 64 : i32
      %mul3A_1128 = arith.muli %select_n3A_1126, %mul3A_1127 : i32
      %dma_wait3A_1129 = arith.constant 3 : i32
      %dma_wait3A_1130 = arith.constant 0 : i32
      %dma_wait3A_1131 = arith.constant 0 : i32
      %dma_wait3A_1132 = tpu.memref_slice %arg6[%dma_wait3A_1129, %dma_wait3A_1130, %dma_wait3A_1131] : memref<10x64x128xf32, #tpu.memory_space<vmem>> -> memref<1x64x128xf32, #tpu.memory_space<vmem>>
      %dma_wait3A_1133 = tpu.memref_squeeze %dma_wait3A_1132 : memref<1x64x128xf32, #tpu.memory_space<vmem>> -> memref<64x128xf32, #tpu.memory_space<vmem>>
      %dma_wait3A_1134 = tpu.memref_slice %arg5[%select_n3A_1110, %mul3A_1128] : memref<50x128xi32, #tpu.memory_space<vmem>> -> memref<1x64xi32, #tpu.memory_space<vmem>>
      %dma_wait3A_1135 = tpu.memref_squeeze %dma_wait3A_1134 : memref<1x64xi32, #tpu.memory_space<vmem>> -> memref<64xi32, #tpu.memory_space<vmem>>
      %dma_wait3A_1136 = arith.constant 0 : i32
      %dma_wait3A_1137 = arith.constant 0 : i32
      %dma_wait3A_1138 = tpu.memref_slice %arg3[%dma_wait3A_1136, %dma_wait3A_1137] : memref<100000x128xf32, #tpu.memory_space<hbm>> -> memref<100000x128xf32, #tpu.memory_space<hbm>>
      tpu.wait_indirect_dma semaphore(%arg10 : memref<!tpu.dma_semaphore, #tpu.memory_space<semaphore_mem>>) src(%dma_wait3A_1138 : memref<100000x128xf32, #tpu.memory_space<hbm>>) dst(%dma_wait3A_1133 : memref<64x128xf32, #tpu.memory_space<vmem>>)
      %jit3A_1139 = arith.constant 2 : i32
      %div3A_1140 = arith.divsi %add3A_1086, %jit3A_1139 : i32
      %sign3A_1141 = arith.constant 0 : i32
      %sign3A_1142 = arith.cmpi sgt, %add3A_1086, %sign3A_1141 : i32
      %sign3A_1143 = arith.extui %sign3A_1142 : i1 to i32
      %sign3A_1144 = arith.constant 0 : i32
      %sign3A_1145 = arith.cmpi slt, %add3A_1086, %sign3A_1144 : i32
      %sign3A_1146 = arith.extui %sign3A_1145 : i1 to i32
      %sign3A_1147 = arith.subi %sign3A_1143, %sign3A_1146 : i32
      %sign3A_1148 = arith.constant 0 : i32
      %sign3A_1149 = arith.cmpi sgt, %jit3A_1139, %sign3A_1148 : i32
      %sign3A_1150 = arith.extui %sign3A_1149 : i1 to i32
      %sign3A_1151 = arith.constant 0 : i32
      %sign3A_1152 = arith.cmpi slt, %jit3A_1139, %sign3A_1151 : i32
      %sign3A_1153 = arith.extui %sign3A_1152 : i1 to i32
      %sign3A_1154 = arith.subi %sign3A_1150, %sign3A_1153 : i32
      %ne3A_1155 = arith.cmpi ne, %sign3A_1147, %sign3A_1154 : i32
      %rem3A_1156 = arith.remsi %add3A_1086, %jit3A_1139 : i32
      %ne3A_1157 = arith.constant 0 : i32
      %ne3A_1158 = arith.cmpi ne, %rem3A_1156, %ne3A_1157 : i32
      %and3A_1159 = arith.andi %ne3A_1155, %ne3A_1158 : i1
      %sub3A_1160 = arith.constant 1 : i32
      %sub3A_1161 = arith.subi %div3A_1140, %sub3A_1160 : i32
      %select_n3A_1162 = arith.select %and3A_1159, %sub3A_1161, %div3A_1140 : i32
      %jit3A_1163 = arith.constant 2 : i32
      %eq3A_1164 = arith.constant 0 : i32
      %eq3A_1165 = arith.cmpi eq, %jit3A_1163, %eq3A_1164 : i32
      %jit3A_1166 = arith.constant 1 : i32
      %select_n3A_1167 = arith.select %eq3A_1165, %jit3A_1166, %jit3A_1163 : i32
      %rem3A_1168 = arith.remsi %add3A_1086, %select_n3A_1167 : i32
      %ne3A_1169 = arith.constant 0 : i32
      %ne3A_1170 = arith.cmpi ne, %rem3A_1168, %ne3A_1169 : i32
      %lt3A_1171 = arith.constant 0 : i32
      %lt3A_1172 = arith.cmpi slt, %rem3A_1168, %lt3A_1171 : i32
      %lt3A_1173 = arith.constant 0 : i32
      %lt3A_1174 = arith.cmpi slt, %select_n3A_1167, %lt3A_1173 : i32
      %ne3A_1175 = arith.xori %lt3A_1172, %lt3A_1174 : i1
      %and3A_1176 = arith.andi %ne3A_1175, %ne3A_1170 : i1
      %add3A_1177 = arith.addi %rem3A_1168, %select_n3A_1167 : i32
      %select_n3A_1178 = arith.select %and3A_1176, %add3A_1177, %rem3A_1168 : i32
      %mul3A_1179 = arith.constant 64 : i32
      %mul3A_1180 = arith.muli %select_n3A_1178, %mul3A_1179 : i32
      %add3A_1181 = arith.addi %mul3A_2, %mul3A_1180 : i32
      %dma_start3A_1182 = arith.constant 3 : i32
      %dma_start3A_1183 = arith.constant 0 : i32
      %dma_start3A_1184 = arith.constant 0 : i32
      %dma_start3A_1185 = tpu.memref_slice %arg6[%dma_start3A_1182, %dma_start3A_1183, %dma_start3A_1184] : memref<10x64x128xf32, #tpu.memory_space<vmem>> -> memref<1x64x128xf32, #tpu.memory_space<vmem>>
      %dma_start3A_1186 = tpu.memref_squeeze %dma_start3A_1185 : memref<1x64x128xf32, #tpu.memory_space<vmem>> -> memref<64x128xf32, #tpu.memory_space<vmem>>
      %dma_start3A_1187 = arith.constant 0 : i32
      %dma_start3A_1188 = tpu.memref_slice %arg4[%select_n3A_1162, %add3A_1181, %dma_start3A_1187] : memref<50x4096x128xf32, #tpu.memory_space<hbm>> -> memref<1x64x128xf32, #tpu.memory_space<hbm>>
      %dma_start3A_1189 = tpu.memref_squeeze %dma_start3A_1188 : memref<1x64x128xf32, #tpu.memory_space<hbm>> -> memref<64x128xf32, #tpu.memory_space<hbm>>
      %dma_start3A_1190 = arith.constant 0 : i32
      %dma_start3A_1191 = tpu.memref_slice %arg4[%select_n3A_1162, %add3A_1181, %dma_start3A_1190] : memref<50x4096x128xf32, #tpu.memory_space<hbm>> -> memref<1x64x128xf32, #tpu.memory_space<hbm>>
      %dma_start3A_1192 = tpu.memref_squeeze %dma_start3A_1191 : memref<1x64x128xf32, #tpu.memory_space<hbm>> -> memref<64x128xf32, #tpu.memory_space<hbm>>
      %dma_start3A_1193 = arith.constant 0 : i32
      %dma_start3A_1194 = arith.constant 0 : i32
      %dma_start3A_1195 = tpu.memref_slice %arg6[%dma_start3A_1182, %dma_start3A_1193, %dma_start3A_1194] : memref<10x64x128xf32, #tpu.memory_space<vmem>> -> memref<1x64x128xf32, #tpu.memory_space<vmem>>
      %dma_start3A_1196 = tpu.memref_squeeze %dma_start3A_1195 : memref<1x64x128xf32, #tpu.memory_space<vmem>> -> memref<64x128xf32, #tpu.memory_space<vmem>>
      tpu.enqueue_dma source(%dma_start3A_1196 : memref<64x128xf32, #tpu.memory_space<vmem>>) target(%dma_start3A_1192 : memref<64x128xf32, #tpu.memory_space<hbm>>) target_semaphore(%arg20 : memref<!tpu.dma_semaphore, #tpu.memory_space<semaphore_mem>>)
      %add3A_1197 = arith.constant 4 : i32
      %add3A_1198 = arith.addi %mul3A_172, %add3A_1197 : i32
      %jit3A_1199 = arith.constant 2 : i32
      %div3A_1200 = arith.divsi %add3A_1198, %jit3A_1199 : i32
      %sign3A_1201 = arith.constant 0 : i32
      %sign3A_1202 = arith.cmpi sgt, %add3A_1198, %sign3A_1201 : i32
      %sign3A_1203 = arith.extui %sign3A_1202 : i1 to i32
      %sign3A_1204 = arith.constant 0 : i32
      %sign3A_1205 = arith.cmpi slt, %add3A_1198, %sign3A_1204 : i32
      %sign3A_1206 = arith.extui %sign3A_1205 : i1 to i32
      %sign3A_1207 = arith.subi %sign3A_1203, %sign3A_1206 : i32
      %sign3A_1208 = arith.constant 0 : i32
      %sign3A_1209 = arith.cmpi sgt, %jit3A_1199, %sign3A_1208 : i32
      %sign3A_1210 = arith.extui %sign3A_1209 : i1 to i32
      %sign3A_1211 = arith.constant 0 : i32
      %sign3A_1212 = arith.cmpi slt, %jit3A_1199, %sign3A_1211 : i32
      %sign3A_1213 = arith.extui %sign3A_1212 : i1 to i32
      %sign3A_1214 = arith.subi %sign3A_1210, %sign3A_1213 : i32
      %ne3A_1215 = arith.cmpi ne, %sign3A_1207, %sign3A_1214 : i32
      %rem3A_1216 = arith.remsi %add3A_1198, %jit3A_1199 : i32
      %ne3A_1217 = arith.constant 0 : i32
      %ne3A_1218 = arith.cmpi ne, %rem3A_1216, %ne3A_1217 : i32
      %and3A_1219 = arith.andi %ne3A_1215, %ne3A_1218 : i1
      %sub3A_1220 = arith.constant 1 : i32
      %sub3A_1221 = arith.subi %div3A_1200, %sub3A_1220 : i32
      %select_n3A_1222 = arith.select %and3A_1219, %sub3A_1221, %div3A_1200 : i32
      %jit3A_1223 = arith.constant 2 : i32
      %eq3A_1224 = arith.constant 0 : i32
      %eq3A_1225 = arith.cmpi eq, %jit3A_1223, %eq3A_1224 : i32
      %jit3A_1226 = arith.constant 1 : i32
      %select_n3A_1227 = arith.select %eq3A_1225, %jit3A_1226, %jit3A_1223 : i32
      %rem3A_1228 = arith.remsi %add3A_1198, %select_n3A_1227 : i32
      %ne3A_1229 = arith.constant 0 : i32
      %ne3A_1230 = arith.cmpi ne, %rem3A_1228, %ne3A_1229 : i32
      %lt3A_1231 = arith.constant 0 : i32
      %lt3A_1232 = arith.cmpi slt, %rem3A_1228, %lt3A_1231 : i32
      %lt3A_1233 = arith.constant 0 : i32
      %lt3A_1234 = arith.cmpi slt, %select_n3A_1227, %lt3A_1233 : i32
      %ne3A_1235 = arith.xori %lt3A_1232, %lt3A_1234 : i1
      %and3A_1236 = arith.andi %ne3A_1235, %ne3A_1230 : i1
      %add3A_1237 = arith.addi %rem3A_1228, %select_n3A_1227 : i32
      %select_n3A_1238 = arith.select %and3A_1236, %add3A_1237, %rem3A_1228 : i32
      %mul3A_1239 = arith.constant 64 : i32
      %mul3A_1240 = arith.muli %select_n3A_1238, %mul3A_1239 : i32
      %dma_wait3A_1241 = arith.constant 4 : i32
      %dma_wait3A_1242 = arith.constant 0 : i32
      %dma_wait3A_1243 = arith.constant 0 : i32
      %dma_wait3A_1244 = tpu.memref_slice %arg6[%dma_wait3A_1241, %dma_wait3A_1242, %dma_wait3A_1243] : memref<10x64x128xf32, #tpu.memory_space<vmem>> -> memref<1x64x128xf32, #tpu.memory_space<vmem>>
      %dma_wait3A_1245 = tpu.memref_squeeze %dma_wait3A_1244 : memref<1x64x128xf32, #tpu.memory_space<vmem>> -> memref<64x128xf32, #tpu.memory_space<vmem>>
      %dma_wait3A_1246 = tpu.memref_slice %arg5[%select_n3A_1222, %mul3A_1240] : memref<50x128xi32, #tpu.memory_space<vmem>> -> memref<1x64xi32, #tpu.memory_space<vmem>>
      %dma_wait3A_1247 = tpu.memref_squeeze %dma_wait3A_1246 : memref<1x64xi32, #tpu.memory_space<vmem>> -> memref<64xi32, #tpu.memory_space<vmem>>
      %dma_wait3A_1248 = arith.constant 0 : i32
      %dma_wait3A_1249 = arith.constant 0 : i32
      %dma_wait3A_1250 = tpu.memref_slice %arg3[%dma_wait3A_1248, %dma_wait3A_1249] : memref<100000x128xf32, #tpu.memory_space<hbm>> -> memref<100000x128xf32, #tpu.memory_space<hbm>>
      tpu.wait_indirect_dma semaphore(%arg11 : memref<!tpu.dma_semaphore, #tpu.memory_space<semaphore_mem>>) src(%dma_wait3A_1250 : memref<100000x128xf32, #tpu.memory_space<hbm>>) dst(%dma_wait3A_1245 : memref<64x128xf32, #tpu.memory_space<vmem>>)
      %jit3A_1251 = arith.constant 2 : i32
      %div3A_1252 = arith.divsi %add3A_1198, %jit3A_1251 : i32
      %sign3A_1253 = arith.constant 0 : i32
      %sign3A_1254 = arith.cmpi sgt, %add3A_1198, %sign3A_1253 : i32
      %sign3A_1255 = arith.extui %sign3A_1254 : i1 to i32
      %sign3A_1256 = arith.constant 0 : i32
      %sign3A_1257 = arith.cmpi slt, %add3A_1198, %sign3A_1256 : i32
      %sign3A_1258 = arith.extui %sign3A_1257 : i1 to i32
      %sign3A_1259 = arith.subi %sign3A_1255, %sign3A_1258 : i32
      %sign3A_1260 = arith.constant 0 : i32
      %sign3A_1261 = arith.cmpi sgt, %jit3A_1251, %sign3A_1260 : i32
      %sign3A_1262 = arith.extui %sign3A_1261 : i1 to i32
      %sign3A_1263 = arith.constant 0 : i32
      %sign3A_1264 = arith.cmpi slt, %jit3A_1251, %sign3A_1263 : i32
      %sign3A_1265 = arith.extui %sign3A_1264 : i1 to i32
      %sign3A_1266 = arith.subi %sign3A_1262, %sign3A_1265 : i32
      %ne3A_1267 = arith.cmpi ne, %sign3A_1259, %sign3A_1266 : i32
      %rem3A_1268 = arith.remsi %add3A_1198, %jit3A_1251 : i32
      %ne3A_1269 = arith.constant 0 : i32
      %ne3A_1270 = arith.cmpi ne, %rem3A_1268, %ne3A_1269 : i32
      %and3A_1271 = arith.andi %ne3A_1267, %ne3A_1270 : i1
      %sub3A_1272 = arith.constant 1 : i32
      %sub3A_1273 = arith.subi %div3A_1252, %sub3A_1272 : i32
      %select_n3A_1274 = arith.select %and3A_1271, %sub3A_1273, %div3A_1252 : i32
      %jit3A_1275 = arith.constant 2 : i32
      %eq3A_1276 = arith.constant 0 : i32
      %eq3A_1277 = arith.cmpi eq, %jit3A_1275, %eq3A_1276 : i32
      %jit3A_1278 = arith.constant 1 : i32
      %select_n3A_1279 = arith.select %eq3A_1277, %jit3A_1278, %jit3A_1275 : i32
      %rem3A_1280 = arith.remsi %add3A_1198, %select_n3A_1279 : i32
      %ne3A_1281 = arith.constant 0 : i32
      %ne3A_1282 = arith.cmpi ne, %rem3A_1280, %ne3A_1281 : i32
      %lt3A_1283 = arith.constant 0 : i32
      %lt3A_1284 = arith.cmpi slt, %rem3A_1280, %lt3A_1283 : i32
      %lt3A_1285 = arith.constant 0 : i32
      %lt3A_1286 = arith.cmpi slt, %select_n3A_1279, %lt3A_1285 : i32
      %ne3A_1287 = arith.xori %lt3A_1284, %lt3A_1286 : i1
      %and3A_1288 = arith.andi %ne3A_1287, %ne3A_1282 : i1
      %add3A_1289 = arith.addi %rem3A_1280, %select_n3A_1279 : i32
      %select_n3A_1290 = arith.select %and3A_1288, %add3A_1289, %rem3A_1280 : i32
      %mul3A_1291 = arith.constant 64 : i32
      %mul3A_1292 = arith.muli %select_n3A_1290, %mul3A_1291 : i32
      %add3A_1293 = arith.addi %mul3A_2, %mul3A_1292 : i32
      %dma_start3A_1294 = arith.constant 4 : i32
      %dma_start3A_1295 = arith.constant 0 : i32
      %dma_start3A_1296 = arith.constant 0 : i32
      %dma_start3A_1297 = tpu.memref_slice %arg6[%dma_start3A_1294, %dma_start3A_1295, %dma_start3A_1296] : memref<10x64x128xf32, #tpu.memory_space<vmem>> -> memref<1x64x128xf32, #tpu.memory_space<vmem>>
      %dma_start3A_1298 = tpu.memref_squeeze %dma_start3A_1297 : memref<1x64x128xf32, #tpu.memory_space<vmem>> -> memref<64x128xf32, #tpu.memory_space<vmem>>
      %dma_start3A_1299 = arith.constant 0 : i32
      %dma_start3A_1300 = tpu.memref_slice %arg4[%select_n3A_1274, %add3A_1293, %dma_start3A_1299] : memref<50x4096x128xf32, #tpu.memory_space<hbm>> -> memref<1x64x128xf32, #tpu.memory_space<hbm>>
      %dma_start3A_1301 = tpu.memref_squeeze %dma_start3A_1300 : memref<1x64x128xf32, #tpu.memory_space<hbm>> -> memref<64x128xf32, #tpu.memory_space<hbm>>
      %dma_start3A_1302 = arith.constant 0 : i32
      %dma_start3A_1303 = tpu.memref_slice %arg4[%select_n3A_1274, %add3A_1293, %dma_start3A_1302] : memref<50x4096x128xf32, #tpu.memory_space<hbm>> -> memref<1x64x128xf32, #tpu.memory_space<hbm>>
      %dma_start3A_1304 = tpu.memref_squeeze %dma_start3A_1303 : memref<1x64x128xf32, #tpu.memory_space<hbm>> -> memref<64x128xf32, #tpu.memory_space<hbm>>
      %dma_start3A_1305 = arith.constant 0 : i32
      %dma_start3A_1306 = arith.constant 0 : i32
      %dma_start3A_1307 = tpu.memref_slice %arg6[%dma_start3A_1294, %dma_start3A_1305, %dma_start3A_1306] : memref<10x64x128xf32, #tpu.memory_space<vmem>> -> memref<1x64x128xf32, #tpu.memory_space<vmem>>
      %dma_start3A_1308 = tpu.memref_squeeze %dma_start3A_1307 : memref<1x64x128xf32, #tpu.memory_space<vmem>> -> memref<64x128xf32, #tpu.memory_space<vmem>>
      tpu.enqueue_dma source(%dma_start3A_1308 : memref<64x128xf32, #tpu.memory_space<vmem>>) target(%dma_start3A_1304 : memref<64x128xf32, #tpu.memory_space<hbm>>) target_semaphore(%arg21 : memref<!tpu.dma_semaphore, #tpu.memory_space<semaphore_mem>>)
      %add3A_1309 = arith.constant 5 : i32
      %add3A_1310 = arith.addi %mul3A_172, %add3A_1309 : i32
      %jit3A_1311 = arith.constant 2 : i32
      %div3A_1312 = arith.divsi %add3A_1310, %jit3A_1311 : i32
      %sign3A_1313 = arith.constant 0 : i32
      %sign3A_1314 = arith.cmpi sgt, %add3A_1310, %sign3A_1313 : i32
      %sign3A_1315 = arith.extui %sign3A_1314 : i1 to i32
      %sign3A_1316 = arith.constant 0 : i32
      %sign3A_1317 = arith.cmpi slt, %add3A_1310, %sign3A_1316 : i32
      %sign3A_1318 = arith.extui %sign3A_1317 : i1 to i32
      %sign3A_1319 = arith.subi %sign3A_1315, %sign3A_1318 : i32
      %sign3A_1320 = arith.constant 0 : i32
      %sign3A_1321 = arith.cmpi sgt, %jit3A_1311, %sign3A_1320 : i32
      %sign3A_1322 = arith.extui %sign3A_1321 : i1 to i32
      %sign3A_1323 = arith.constant 0 : i32
      %sign3A_1324 = arith.cmpi slt, %jit3A_1311, %sign3A_1323 : i32
      %sign3A_1325 = arith.extui %sign3A_1324 : i1 to i32
      %sign3A_1326 = arith.subi %sign3A_1322, %sign3A_1325 : i32
      %ne3A_1327 = arith.cmpi ne, %sign3A_1319, %sign3A_1326 : i32
      %rem3A_1328 = arith.remsi %add3A_1310, %jit3A_1311 : i32
      %ne3A_1329 = arith.constant 0 : i32
      %ne3A_1330 = arith.cmpi ne, %rem3A_1328, %ne3A_1329 : i32
      %and3A_1331 = arith.andi %ne3A_1327, %ne3A_1330 : i1
      %sub3A_1332 = arith.constant 1 : i32
      %sub3A_1333 = arith.subi %div3A_1312, %sub3A_1332 : i32
      %select_n3A_1334 = arith.select %and3A_1331, %sub3A_1333, %div3A_1312 : i32
      %jit3A_1335 = arith.constant 2 : i32
      %eq3A_1336 = arith.constant 0 : i32
      %eq3A_1337 = arith.cmpi eq, %jit3A_1335, %eq3A_1336 : i32
      %jit3A_1338 = arith.constant 1 : i32
      %select_n3A_1339 = arith.select %eq3A_1337, %jit3A_1338, %jit3A_1335 : i32
      %rem3A_1340 = arith.remsi %add3A_1310, %select_n3A_1339 : i32
      %ne3A_1341 = arith.constant 0 : i32
      %ne3A_1342 = arith.cmpi ne, %rem3A_1340, %ne3A_1341 : i32
      %lt3A_1343 = arith.constant 0 : i32
      %lt3A_1344 = arith.cmpi slt, %rem3A_1340, %lt3A_1343 : i32
      %lt3A_1345 = arith.constant 0 : i32
      %lt3A_1346 = arith.cmpi slt, %select_n3A_1339, %lt3A_1345 : i32
      %ne3A_1347 = arith.xori %lt3A_1344, %lt3A_1346 : i1
      %and3A_1348 = arith.andi %ne3A_1347, %ne3A_1342 : i1
      %add3A_1349 = arith.addi %rem3A_1340, %select_n3A_1339 : i32
      %select_n3A_1350 = arith.select %and3A_1348, %add3A_1349, %rem3A_1340 : i32
      %mul3A_1351 = arith.constant 64 : i32
      %mul3A_1352 = arith.muli %select_n3A_1350, %mul3A_1351 : i32
      %dma_wait3A_1353 = arith.constant 5 : i32
      %dma_wait3A_1354 = arith.constant 0 : i32
      %dma_wait3A_1355 = arith.constant 0 : i32
      %dma_wait3A_1356 = tpu.memref_slice %arg6[%dma_wait3A_1353, %dma_wait3A_1354, %dma_wait3A_1355] : memref<10x64x128xf32, #tpu.memory_space<vmem>> -> memref<1x64x128xf32, #tpu.memory_space<vmem>>
      %dma_wait3A_1357 = tpu.memref_squeeze %dma_wait3A_1356 : memref<1x64x128xf32, #tpu.memory_space<vmem>> -> memref<64x128xf32, #tpu.memory_space<vmem>>
      %dma_wait3A_1358 = tpu.memref_slice %arg5[%select_n3A_1334, %mul3A_1352] : memref<50x128xi32, #tpu.memory_space<vmem>> -> memref<1x64xi32, #tpu.memory_space<vmem>>
      %dma_wait3A_1359 = tpu.memref_squeeze %dma_wait3A_1358 : memref<1x64xi32, #tpu.memory_space<vmem>> -> memref<64xi32, #tpu.memory_space<vmem>>
      %dma_wait3A_1360 = arith.constant 0 : i32
      %dma_wait3A_1361 = arith.constant 0 : i32
      %dma_wait3A_1362 = tpu.memref_slice %arg3[%dma_wait3A_1360, %dma_wait3A_1361] : memref<100000x128xf32, #tpu.memory_space<hbm>> -> memref<100000x128xf32, #tpu.memory_space<hbm>>
      tpu.wait_indirect_dma semaphore(%arg12 : memref<!tpu.dma_semaphore, #tpu.memory_space<semaphore_mem>>) src(%dma_wait3A_1362 : memref<100000x128xf32, #tpu.memory_space<hbm>>) dst(%dma_wait3A_1357 : memref<64x128xf32, #tpu.memory_space<vmem>>)
      %jit3A_1363 = arith.constant 2 : i32
      %div3A_1364 = arith.divsi %add3A_1310, %jit3A_1363 : i32
      %sign3A_1365 = arith.constant 0 : i32
      %sign3A_1366 = arith.cmpi sgt, %add3A_1310, %sign3A_1365 : i32
      %sign3A_1367 = arith.extui %sign3A_1366 : i1 to i32
      %sign3A_1368 = arith.constant 0 : i32
      %sign3A_1369 = arith.cmpi slt, %add3A_1310, %sign3A_1368 : i32
      %sign3A_1370 = arith.extui %sign3A_1369 : i1 to i32
      %sign3A_1371 = arith.subi %sign3A_1367, %sign3A_1370 : i32
      %sign3A_1372 = arith.constant 0 : i32
      %sign3A_1373 = arith.cmpi sgt, %jit3A_1363, %sign3A_1372 : i32
      %sign3A_1374 = arith.extui %sign3A_1373 : i1 to i32
      %sign3A_1375 = arith.constant 0 : i32
      %sign3A_1376 = arith.cmpi slt, %jit3A_1363, %sign3A_1375 : i32
      %sign3A_1377 = arith.extui %sign3A_1376 : i1 to i32
      %sign3A_1378 = arith.subi %sign3A_1374, %sign3A_1377 : i32
      %ne3A_1379 = arith.cmpi ne, %sign3A_1371, %sign3A_1378 : i32
      %rem3A_1380 = arith.remsi %add3A_1310, %jit3A_1363 : i32
      %ne3A_1381 = arith.constant 0 : i32
      %ne3A_1382 = arith.cmpi ne, %rem3A_1380, %ne3A_1381 : i32
      %and3A_1383 = arith.andi %ne3A_1379, %ne3A_1382 : i1
      %sub3A_1384 = arith.constant 1 : i32
      %sub3A_1385 = arith.subi %div3A_1364, %sub3A_1384 : i32
      %select_n3A_1386 = arith.select %and3A_1383, %sub3A_1385, %div3A_1364 : i32
      %jit3A_1387 = arith.constant 2 : i32
      %eq3A_1388 = arith.constant 0 : i32
      %eq3A_1389 = arith.cmpi eq, %jit3A_1387, %eq3A_1388 : i32
      %jit3A_1390 = arith.constant 1 : i32
      %select_n3A_1391 = arith.select %eq3A_1389, %jit3A_1390, %jit3A_1387 : i32
      %rem3A_1392 = arith.remsi %add3A_1310, %select_n3A_1391 : i32
      %ne3A_1393 = arith.constant 0 : i32
      %ne3A_1394 = arith.cmpi ne, %rem3A_1392, %ne3A_1393 : i32
      %lt3A_1395 = arith.constant 0 : i32
      %lt3A_1396 = arith.cmpi slt, %rem3A_1392, %lt3A_1395 : i32
      %lt3A_1397 = arith.constant 0 : i32
      %lt3A_1398 = arith.cmpi slt, %select_n3A_1391, %lt3A_1397 : i32
      %ne3A_1399 = arith.xori %lt3A_1396, %lt3A_1398 : i1
      %and3A_1400 = arith.andi %ne3A_1399, %ne3A_1394 : i1
      %add3A_1401 = arith.addi %rem3A_1392, %select_n3A_1391 : i32
      %select_n3A_1402 = arith.select %and3A_1400, %add3A_1401, %rem3A_1392 : i32
      %mul3A_1403 = arith.constant 64 : i32
      %mul3A_1404 = arith.muli %select_n3A_1402, %mul3A_1403 : i32
      %add3A_1405 = arith.addi %mul3A_2, %mul3A_1404 : i32
      %dma_start3A_1406 = arith.constant 5 : i32
      %dma_start3A_1407 = arith.constant 0 : i32
      %dma_start3A_1408 = arith.constant 0 : i32
      %dma_start3A_1409 = tpu.memref_slice %arg6[%dma_start3A_1406, %dma_start3A_1407, %dma_start3A_1408] : memref<10x64x128xf32, #tpu.memory_space<vmem>> -> memref<1x64x128xf32, #tpu.memory_space<vmem>>
      %dma_start3A_1410 = tpu.memref_squeeze %dma_start3A_1409 : memref<1x64x128xf32, #tpu.memory_space<vmem>> -> memref<64x128xf32, #tpu.memory_space<vmem>>
      %dma_start3A_1411 = arith.constant 0 : i32
      %dma_start3A_1412 = tpu.memref_slice %arg4[%select_n3A_1386, %add3A_1405, %dma_start3A_1411] : memref<50x4096x128xf32, #tpu.memory_space<hbm>> -> memref<1x64x128xf32, #tpu.memory_space<hbm>>
      %dma_start3A_1413 = tpu.memref_squeeze %dma_start3A_1412 : memref<1x64x128xf32, #tpu.memory_space<hbm>> -> memref<64x128xf32, #tpu.memory_space<hbm>>
      %dma_start3A_1414 = arith.constant 0 : i32
      %dma_start3A_1415 = tpu.memref_slice %arg4[%select_n3A_1386, %add3A_1405, %dma_start3A_1414] : memref<50x4096x128xf32, #tpu.memory_space<hbm>> -> memref<1x64x128xf32, #tpu.memory_space<hbm>>
      %dma_start3A_1416 = tpu.memref_squeeze %dma_start3A_1415 : memref<1x64x128xf32, #tpu.memory_space<hbm>> -> memref<64x128xf32, #tpu.memory_space<hbm>>
      %dma_start3A_1417 = arith.constant 0 : i32
      %dma_start3A_1418 = arith.constant 0 : i32
      %dma_start3A_1419 = tpu.memref_slice %arg6[%dma_start3A_1406, %dma_start3A_1417, %dma_start3A_1418] : memref<10x64x128xf32, #tpu.memory_space<vmem>> -> memref<1x64x128xf32, #tpu.memory_space<vmem>>
      %dma_start3A_1420 = tpu.memref_squeeze %dma_start3A_1419 : memref<1x64x128xf32, #tpu.memory_space<vmem>> -> memref<64x128xf32, #tpu.memory_space<vmem>>
      tpu.enqueue_dma source(%dma_start3A_1420 : memref<64x128xf32, #tpu.memory_space<vmem>>) target(%dma_start3A_1416 : memref<64x128xf32, #tpu.memory_space<hbm>>) target_semaphore(%arg22 : memref<!tpu.dma_semaphore, #tpu.memory_space<semaphore_mem>>)
      %add3A_1421 = arith.constant 6 : i32
      %add3A_1422 = arith.addi %mul3A_172, %add3A_1421 : i32
      %jit3A_1423 = arith.constant 2 : i32
      %div3A_1424 = arith.divsi %add3A_1422, %jit3A_1423 : i32
      %sign3A_1425 = arith.constant 0 : i32
      %sign3A_1426 = arith.cmpi sgt, %add3A_1422, %sign3A_1425 : i32
      %sign3A_1427 = arith.extui %sign3A_1426 : i1 to i32
      %sign3A_1428 = arith.constant 0 : i32
      %sign3A_1429 = arith.cmpi slt, %add3A_1422, %sign3A_1428 : i32
      %sign3A_1430 = arith.extui %sign3A_1429 : i1 to i32
      %sign3A_1431 = arith.subi %sign3A_1427, %sign3A_1430 : i32
      %sign3A_1432 = arith.constant 0 : i32
      %sign3A_1433 = arith.cmpi sgt, %jit3A_1423, %sign3A_1432 : i32
      %sign3A_1434 = arith.extui %sign3A_1433 : i1 to i32
      %sign3A_1435 = arith.constant 0 : i32
      %sign3A_1436 = arith.cmpi slt, %jit3A_1423, %sign3A_1435 : i32
      %sign3A_1437 = arith.extui %sign3A_1436 : i1 to i32
      %sign3A_1438 = arith.subi %sign3A_1434, %sign3A_1437 : i32
      %ne3A_1439 = arith.cmpi ne, %sign3A_1431, %sign3A_1438 : i32
      %rem3A_1440 = arith.remsi %add3A_1422, %jit3A_1423 : i32
      %ne3A_1441 = arith.constant 0 : i32
      %ne3A_1442 = arith.cmpi ne, %rem3A_1440, %ne3A_1441 : i32
      %and3A_1443 = arith.andi %ne3A_1439, %ne3A_1442 : i1
      %sub3A_1444 = arith.constant 1 : i32
      %sub3A_1445 = arith.subi %div3A_1424, %sub3A_1444 : i32
      %select_n3A_1446 = arith.select %and3A_1443, %sub3A_1445, %div3A_1424 : i32
      %jit3A_1447 = arith.constant 2 : i32
      %eq3A_1448 = arith.constant 0 : i32
      %eq3A_1449 = arith.cmpi eq, %jit3A_1447, %eq3A_1448 : i32
      %jit3A_1450 = arith.constant 1 : i32
      %select_n3A_1451 = arith.select %eq3A_1449, %jit3A_1450, %jit3A_1447 : i32
      %rem3A_1452 = arith.remsi %add3A_1422, %select_n3A_1451 : i32
      %ne3A_1453 = arith.constant 0 : i32
      %ne3A_1454 = arith.cmpi ne, %rem3A_1452, %ne3A_1453 : i32
      %lt3A_1455 = arith.constant 0 : i32
      %lt3A_1456 = arith.cmpi slt, %rem3A_1452, %lt3A_1455 : i32
      %lt3A_1457 = arith.constant 0 : i32
      %lt3A_1458 = arith.cmpi slt, %select_n3A_1451, %lt3A_1457 : i32
      %ne3A_1459 = arith.xori %lt3A_1456, %lt3A_1458 : i1
      %and3A_1460 = arith.andi %ne3A_1459, %ne3A_1454 : i1
      %add3A_1461 = arith.addi %rem3A_1452, %select_n3A_1451 : i32
      %select_n3A_1462 = arith.select %and3A_1460, %add3A_1461, %rem3A_1452 : i32
      %mul3A_1463 = arith.constant 64 : i32
      %mul3A_1464 = arith.muli %select_n3A_1462, %mul3A_1463 : i32
      %dma_wait3A_1465 = arith.constant 6 : i32
      %dma_wait3A_1466 = arith.constant 0 : i32
      %dma_wait3A_1467 = arith.constant 0 : i32
      %dma_wait3A_1468 = tpu.memref_slice %arg6[%dma_wait3A_1465, %dma_wait3A_1466, %dma_wait3A_1467] : memref<10x64x128xf32, #tpu.memory_space<vmem>> -> memref<1x64x128xf32, #tpu.memory_space<vmem>>
      %dma_wait3A_1469 = tpu.memref_squeeze %dma_wait3A_1468 : memref<1x64x128xf32, #tpu.memory_space<vmem>> -> memref<64x128xf32, #tpu.memory_space<vmem>>
      %dma_wait3A_1470 = tpu.memref_slice %arg5[%select_n3A_1446, %mul3A_1464] : memref<50x128xi32, #tpu.memory_space<vmem>> -> memref<1x64xi32, #tpu.memory_space<vmem>>
      %dma_wait3A_1471 = tpu.memref_squeeze %dma_wait3A_1470 : memref<1x64xi32, #tpu.memory_space<vmem>> -> memref<64xi32, #tpu.memory_space<vmem>>
      %dma_wait3A_1472 = arith.constant 0 : i32
      %dma_wait3A_1473 = arith.constant 0 : i32
      %dma_wait3A_1474 = tpu.memref_slice %arg3[%dma_wait3A_1472, %dma_wait3A_1473] : memref<100000x128xf32, #tpu.memory_space<hbm>> -> memref<100000x128xf32, #tpu.memory_space<hbm>>
      tpu.wait_indirect_dma semaphore(%arg13 : memref<!tpu.dma_semaphore, #tpu.memory_space<semaphore_mem>>) src(%dma_wait3A_1474 : memref<100000x128xf32, #tpu.memory_space<hbm>>) dst(%dma_wait3A_1469 : memref<64x128xf32, #tpu.memory_space<vmem>>)
      %jit3A_1475 = arith.constant 2 : i32
      %div3A_1476 = arith.divsi %add3A_1422, %jit3A_1475 : i32
      %sign3A_1477 = arith.constant 0 : i32
      %sign3A_1478 = arith.cmpi sgt, %add3A_1422, %sign3A_1477 : i32
      %sign3A_1479 = arith.extui %sign3A_1478 : i1 to i32
      %sign3A_1480 = arith.constant 0 : i32
      %sign3A_1481 = arith.cmpi slt, %add3A_1422, %sign3A_1480 : i32
      %sign3A_1482 = arith.extui %sign3A_1481 : i1 to i32
      %sign3A_1483 = arith.subi %sign3A_1479, %sign3A_1482 : i32
      %sign3A_1484 = arith.constant 0 : i32
      %sign3A_1485 = arith.cmpi sgt, %jit3A_1475, %sign3A_1484 : i32
      %sign3A_1486 = arith.extui %sign3A_1485 : i1 to i32
      %sign3A_1487 = arith.constant 0 : i32
      %sign3A_1488 = arith.cmpi slt, %jit3A_1475, %sign3A_1487 : i32
      %sign3A_1489 = arith.extui %sign3A_1488 : i1 to i32
      %sign3A_1490 = arith.subi %sign3A_1486, %sign3A_1489 : i32
      %ne3A_1491 = arith.cmpi ne, %sign3A_1483, %sign3A_1490 : i32
      %rem3A_1492 = arith.remsi %add3A_1422, %jit3A_1475 : i32
      %ne3A_1493 = arith.constant 0 : i32
      %ne3A_1494 = arith.cmpi ne, %rem3A_1492, %ne3A_1493 : i32
      %and3A_1495 = arith.andi %ne3A_1491, %ne3A_1494 : i1
      %sub3A_1496 = arith.constant 1 : i32
      %sub3A_1497 = arith.subi %div3A_1476, %sub3A_1496 : i32
      %select_n3A_1498 = arith.select %and3A_1495, %sub3A_1497, %div3A_1476 : i32
      %jit3A_1499 = arith.constant 2 : i32
      %eq3A_1500 = arith.constant 0 : i32
      %eq3A_1501 = arith.cmpi eq, %jit3A_1499, %eq3A_1500 : i32
      %jit3A_1502 = arith.constant 1 : i32
      %select_n3A_1503 = arith.select %eq3A_1501, %jit3A_1502, %jit3A_1499 : i32
      %rem3A_1504 = arith.remsi %add3A_1422, %select_n3A_1503 : i32
      %ne3A_1505 = arith.constant 0 : i32
      %ne3A_1506 = arith.cmpi ne, %rem3A_1504, %ne3A_1505 : i32
      %lt3A_1507 = arith.constant 0 : i32
      %lt3A_1508 = arith.cmpi slt, %rem3A_1504, %lt3A_1507 : i32
      %lt3A_1509 = arith.constant 0 : i32
      %lt3A_1510 = arith.cmpi slt, %select_n3A_1503, %lt3A_1509 : i32
      %ne3A_1511 = arith.xori %lt3A_1508, %lt3A_1510 : i1
      %and3A_1512 = arith.andi %ne3A_1511, %ne3A_1506 : i1
      %add3A_1513 = arith.addi %rem3A_1504, %select_n3A_1503 : i32
      %select_n3A_1514 = arith.select %and3A_1512, %add3A_1513, %rem3A_1504 : i32
      %mul3A_1515 = arith.constant 64 : i32
      %mul3A_1516 = arith.muli %select_n3A_1514, %mul3A_1515 : i32
      %add3A_1517 = arith.addi %mul3A_2, %mul3A_1516 : i32
      %dma_start3A_1518 = arith.constant 6 : i32
      %dma_start3A_1519 = arith.constant 0 : i32
      %dma_start3A_1520 = arith.constant 0 : i32
      %dma_start3A_1521 = tpu.memref_slice %arg6[%dma_start3A_1518, %dma_start3A_1519, %dma_start3A_1520] : memref<10x64x128xf32, #tpu.memory_space<vmem>> -> memref<1x64x128xf32, #tpu.memory_space<vmem>>
      %dma_start3A_1522 = tpu.memref_squeeze %dma_start3A_1521 : memref<1x64x128xf32, #tpu.memory_space<vmem>> -> memref<64x128xf32, #tpu.memory_space<vmem>>
      %dma_start3A_1523 = arith.constant 0 : i32
      %dma_start3A_1524 = tpu.memref_slice %arg4[%select_n3A_1498, %add3A_1517, %dma_start3A_1523] : memref<50x4096x128xf32, #tpu.memory_space<hbm>> -> memref<1x64x128xf32, #tpu.memory_space<hbm>>
      %dma_start3A_1525 = tpu.memref_squeeze %dma_start3A_1524 : memref<1x64x128xf32, #tpu.memory_space<hbm>> -> memref<64x128xf32, #tpu.memory_space<hbm>>
      %dma_start3A_1526 = arith.constant 0 : i32
      %dma_start3A_1527 = tpu.memref_slice %arg4[%select_n3A_1498, %add3A_1517, %dma_start3A_1526] : memref<50x4096x128xf32, #tpu.memory_space<hbm>> -> memref<1x64x128xf32, #tpu.memory_space<hbm>>
      %dma_start3A_1528 = tpu.memref_squeeze %dma_start3A_1527 : memref<1x64x128xf32, #tpu.memory_space<hbm>> -> memref<64x128xf32, #tpu.memory_space<hbm>>
      %dma_start3A_1529 = arith.constant 0 : i32
      %dma_start3A_1530 = arith.constant 0 : i32
      %dma_start3A_1531 = tpu.memref_slice %arg6[%dma_start3A_1518, %dma_start3A_1529, %dma_start3A_1530] : memref<10x64x128xf32, #tpu.memory_space<vmem>> -> memref<1x64x128xf32, #tpu.memory_space<vmem>>
      %dma_start3A_1532 = tpu.memref_squeeze %dma_start3A_1531 : memref<1x64x128xf32, #tpu.memory_space<vmem>> -> memref<64x128xf32, #tpu.memory_space<vmem>>
      tpu.enqueue_dma source(%dma_start3A_1532 : memref<64x128xf32, #tpu.memory_space<vmem>>) target(%dma_start3A_1528 : memref<64x128xf32, #tpu.memory_space<hbm>>) target_semaphore(%arg23 : memref<!tpu.dma_semaphore, #tpu.memory_space<semaphore_mem>>)
      %add3A_1533 = arith.constant 7 : i32
      %add3A_1534 = arith.addi %mul3A_172, %add3A_1533 : i32
      %jit3A_1535 = arith.constant 2 : i32
      %div3A_1536 = arith.divsi %add3A_1534, %jit3A_1535 : i32
      %sign3A_1537 = arith.constant 0 : i32
      %sign3A_1538 = arith.cmpi sgt, %add3A_1534, %sign3A_1537 : i32
      %sign3A_1539 = arith.extui %sign3A_1538 : i1 to i32
      %sign3A_1540 = arith.constant 0 : i32
      %sign3A_1541 = arith.cmpi slt, %add3A_1534, %sign3A_1540 : i32
      %sign3A_1542 = arith.extui %sign3A_1541 : i1 to i32
      %sign3A_1543 = arith.subi %sign3A_1539, %sign3A_1542 : i32
      %sign3A_1544 = arith.constant 0 : i32
      %sign3A_1545 = arith.cmpi sgt, %jit3A_1535, %sign3A_1544 : i32
      %sign3A_1546 = arith.extui %sign3A_1545 : i1 to i32
      %sign3A_1547 = arith.constant 0 : i32
      %sign3A_1548 = arith.cmpi slt, %jit3A_1535, %sign3A_1547 : i32
      %sign3A_1549 = arith.extui %sign3A_1548 : i1 to i32
      %sign3A_1550 = arith.subi %sign3A_1546, %sign3A_1549 : i32
      %ne3A_1551 = arith.cmpi ne, %sign3A_1543, %sign3A_1550 : i32
      %rem3A_1552 = arith.remsi %add3A_1534, %jit3A_1535 : i32
      %ne3A_1553 = arith.constant 0 : i32
      %ne3A_1554 = arith.cmpi ne, %rem3A_1552, %ne3A_1553 : i32
      %and3A_1555 = arith.andi %ne3A_1551, %ne3A_1554 : i1
      %sub3A_1556 = arith.constant 1 : i32
      %sub3A_1557 = arith.subi %div3A_1536, %sub3A_1556 : i32
      %select_n3A_1558 = arith.select %and3A_1555, %sub3A_1557, %div3A_1536 : i32
      %jit3A_1559 = arith.constant 2 : i32
      %eq3A_1560 = arith.constant 0 : i32
      %eq3A_1561 = arith.cmpi eq, %jit3A_1559, %eq3A_1560 : i32
      %jit3A_1562 = arith.constant 1 : i32
      %select_n3A_1563 = arith.select %eq3A_1561, %jit3A_1562, %jit3A_1559 : i32
      %rem3A_1564 = arith.remsi %add3A_1534, %select_n3A_1563 : i32
      %ne3A_1565 = arith.constant 0 : i32
      %ne3A_1566 = arith.cmpi ne, %rem3A_1564, %ne3A_1565 : i32
      %lt3A_1567 = arith.constant 0 : i32
      %lt3A_1568 = arith.cmpi slt, %rem3A_1564, %lt3A_1567 : i32
      %lt3A_1569 = arith.constant 0 : i32
      %lt3A_1570 = arith.cmpi slt, %select_n3A_1563, %lt3A_1569 : i32
      %ne3A_1571 = arith.xori %lt3A_1568, %lt3A_1570 : i1
      %and3A_1572 = arith.andi %ne3A_1571, %ne3A_1566 : i1
      %add3A_1573 = arith.addi %rem3A_1564, %select_n3A_1563 : i32
      %select_n3A_1574 = arith.select %and3A_1572, %add3A_1573, %rem3A_1564 : i32
      %mul3A_1575 = arith.constant 64 : i32
      %mul3A_1576 = arith.muli %select_n3A_1574, %mul3A_1575 : i32
      %dma_wait3A_1577 = arith.constant 7 : i32
      %dma_wait3A_1578 = arith.constant 0 : i32
      %dma_wait3A_1579 = arith.constant 0 : i32
      %dma_wait3A_1580 = tpu.memref_slice %arg6[%dma_wait3A_1577, %dma_wait3A_1578, %dma_wait3A_1579] : memref<10x64x128xf32, #tpu.memory_space<vmem>> -> memref<1x64x128xf32, #tpu.memory_space<vmem>>
      %dma_wait3A_1581 = tpu.memref_squeeze %dma_wait3A_1580 : memref<1x64x128xf32, #tpu.memory_space<vmem>> -> memref<64x128xf32, #tpu.memory_space<vmem>>
      %dma_wait3A_1582 = tpu.memref_slice %arg5[%select_n3A_1558, %mul3A_1576] : memref<50x128xi32, #tpu.memory_space<vmem>> -> memref<1x64xi32, #tpu.memory_space<vmem>>
      %dma_wait3A_1583 = tpu.memref_squeeze %dma_wait3A_1582 : memref<1x64xi32, #tpu.memory_space<vmem>> -> memref<64xi32, #tpu.memory_space<vmem>>
      %dma_wait3A_1584 = arith.constant 0 : i32
      %dma_wait3A_1585 = arith.constant 0 : i32
      %dma_wait3A_1586 = tpu.memref_slice %arg3[%dma_wait3A_1584, %dma_wait3A_1585] : memref<100000x128xf32, #tpu.memory_space<hbm>> -> memref<100000x128xf32, #tpu.memory_space<hbm>>
      tpu.wait_indirect_dma semaphore(%arg14 : memref<!tpu.dma_semaphore, #tpu.memory_space<semaphore_mem>>) src(%dma_wait3A_1586 : memref<100000x128xf32, #tpu.memory_space<hbm>>) dst(%dma_wait3A_1581 : memref<64x128xf32, #tpu.memory_space<vmem>>)
      %jit3A_1587 = arith.constant 2 : i32
      %div3A_1588 = arith.divsi %add3A_1534, %jit3A_1587 : i32
      %sign3A_1589 = arith.constant 0 : i32
      %sign3A_1590 = arith.cmpi sgt, %add3A_1534, %sign3A_1589 : i32
      %sign3A_1591 = arith.extui %sign3A_1590 : i1 to i32
      %sign3A_1592 = arith.constant 0 : i32
      %sign3A_1593 = arith.cmpi slt, %add3A_1534, %sign3A_1592 : i32
      %sign3A_1594 = arith.extui %sign3A_1593 : i1 to i32
      %sign3A_1595 = arith.subi %sign3A_1591, %sign3A_1594 : i32
      %sign3A_1596 = arith.constant 0 : i32
      %sign3A_1597 = arith.cmpi sgt, %jit3A_1587, %sign3A_1596 : i32
      %sign3A_1598 = arith.extui %sign3A_1597 : i1 to i32
      %sign3A_1599 = arith.constant 0 : i32
      %sign3A_1600 = arith.cmpi slt, %jit3A_1587, %sign3A_1599 : i32
      %sign3A_1601 = arith.extui %sign3A_1600 : i1 to i32
      %sign3A_1602 = arith.subi %sign3A_1598, %sign3A_1601 : i32
      %ne3A_1603 = arith.cmpi ne, %sign3A_1595, %sign3A_1602 : i32
      %rem3A_1604 = arith.remsi %add3A_1534, %jit3A_1587 : i32
      %ne3A_1605 = arith.constant 0 : i32
      %ne3A_1606 = arith.cmpi ne, %rem3A_1604, %ne3A_1605 : i32
      %and3A_1607 = arith.andi %ne3A_1603, %ne3A_1606 : i1
      %sub3A_1608 = arith.constant 1 : i32
      %sub3A_1609 = arith.subi %div3A_1588, %sub3A_1608 : i32
      %select_n3A_1610 = arith.select %and3A_1607, %sub3A_1609, %div3A_1588 : i32
      %jit3A_1611 = arith.constant 2 : i32
      %eq3A_1612 = arith.constant 0 : i32
      %eq3A_1613 = arith.cmpi eq, %jit3A_1611, %eq3A_1612 : i32
      %jit3A_1614 = arith.constant 1 : i32
      %select_n3A_1615 = arith.select %eq3A_1613, %jit3A_1614, %jit3A_1611 : i32
      %rem3A_1616 = arith.remsi %add3A_1534, %select_n3A_1615 : i32
      %ne3A_1617 = arith.constant 0 : i32
      %ne3A_1618 = arith.cmpi ne, %rem3A_1616, %ne3A_1617 : i32
      %lt3A_1619 = arith.constant 0 : i32
      %lt3A_1620 = arith.cmpi slt, %rem3A_1616, %lt3A_1619 : i32
      %lt3A_1621 = arith.constant 0 : i32
      %lt3A_1622 = arith.cmpi slt, %select_n3A_1615, %lt3A_1621 : i32
      %ne3A_1623 = arith.xori %lt3A_1620, %lt3A_1622 : i1
      %and3A_1624 = arith.andi %ne3A_1623, %ne3A_1618 : i1
      %add3A_1625 = arith.addi %rem3A_1616, %select_n3A_1615 : i32
      %select_n3A_1626 = arith.select %and3A_1624, %add3A_1625, %rem3A_1616 : i32
      %mul3A_1627 = arith.constant 64 : i32
      %mul3A_1628 = arith.muli %select_n3A_1626, %mul3A_1627 : i32
      %add3A_1629 = arith.addi %mul3A_2, %mul3A_1628 : i32
      %dma_start3A_1630 = arith.constant 7 : i32
      %dma_start3A_1631 = arith.constant 0 : i32
      %dma_start3A_1632 = arith.constant 0 : i32
      %dma_start3A_1633 = tpu.memref_slice %arg6[%dma_start3A_1630, %dma_start3A_1631, %dma_start3A_1632] : memref<10x64x128xf32, #tpu.memory_space<vmem>> -> memref<1x64x128xf32, #tpu.memory_space<vmem>>
      %dma_start3A_1634 = tpu.memref_squeeze %dma_start3A_1633 : memref<1x64x128xf32, #tpu.memory_space<vmem>> -> memref<64x128xf32, #tpu.memory_space<vmem>>
      %dma_start3A_1635 = arith.constant 0 : i32
      %dma_start3A_1636 = tpu.memref_slice %arg4[%select_n3A_1610, %add3A_1629, %dma_start3A_1635] : memref<50x4096x128xf32, #tpu.memory_space<hbm>> -> memref<1x64x128xf32, #tpu.memory_space<hbm>>
      %dma_start3A_1637 = tpu.memref_squeeze %dma_start3A_1636 : memref<1x64x128xf32, #tpu.memory_space<hbm>> -> memref<64x128xf32, #tpu.memory_space<hbm>>
      %dma_start3A_1638 = arith.constant 0 : i32
      %dma_start3A_1639 = tpu.memref_slice %arg4[%select_n3A_1610, %add3A_1629, %dma_start3A_1638] : memref<50x4096x128xf32, #tpu.memory_space<hbm>> -> memref<1x64x128xf32, #tpu.memory_space<hbm>>
      %dma_start3A_1640 = tpu.memref_squeeze %dma_start3A_1639 : memref<1x64x128xf32, #tpu.memory_space<hbm>> -> memref<64x128xf32, #tpu.memory_space<hbm>>
      %dma_start3A_1641 = arith.constant 0 : i32
      %dma_start3A_1642 = arith.constant 0 : i32
      %dma_start3A_1643 = tpu.memref_slice %arg6[%dma_start3A_1630, %dma_start3A_1641, %dma_start3A_1642] : memref<10x64x128xf32, #tpu.memory_space<vmem>> -> memref<1x64x128xf32, #tpu.memory_space<vmem>>
      %dma_start3A_1644 = tpu.memref_squeeze %dma_start3A_1643 : memref<1x64x128xf32, #tpu.memory_space<vmem>> -> memref<64x128xf32, #tpu.memory_space<vmem>>
      tpu.enqueue_dma source(%dma_start3A_1644 : memref<64x128xf32, #tpu.memory_space<vmem>>) target(%dma_start3A_1640 : memref<64x128xf32, #tpu.memory_space<hbm>>) target_semaphore(%arg24 : memref<!tpu.dma_semaphore, #tpu.memory_space<semaphore_mem>>)
      %add3A_1645 = arith.constant 8 : i32
      %add3A_1646 = arith.addi %mul3A_172, %add3A_1645 : i32
      %jit3A_1647 = arith.constant 2 : i32
      %div3A_1648 = arith.divsi %add3A_1646, %jit3A_1647 : i32
      %sign3A_1649 = arith.constant 0 : i32
      %sign3A_1650 = arith.cmpi sgt, %add3A_1646, %sign3A_1649 : i32
      %sign3A_1651 = arith.extui %sign3A_1650 : i1 to i32
      %sign3A_1652 = arith.constant 0 : i32
      %sign3A_1653 = arith.cmpi slt, %add3A_1646, %sign3A_1652 : i32
      %sign3A_1654 = arith.extui %sign3A_1653 : i1 to i32
      %sign3A_1655 = arith.subi %sign3A_1651, %sign3A_1654 : i32
      %sign3A_1656 = arith.constant 0 : i32
      %sign3A_1657 = arith.cmpi sgt, %jit3A_1647, %sign3A_1656 : i32
      %sign3A_1658 = arith.extui %sign3A_1657 : i1 to i32
      %sign3A_1659 = arith.constant 0 : i32
      %sign3A_1660 = arith.cmpi slt, %jit3A_1647, %sign3A_1659 : i32
      %sign3A_1661 = arith.extui %sign3A_1660 : i1 to i32
      %sign3A_1662 = arith.subi %sign3A_1658, %sign3A_1661 : i32
      %ne3A_1663 = arith.cmpi ne, %sign3A_1655, %sign3A_1662 : i32
      %rem3A_1664 = arith.remsi %add3A_1646, %jit3A_1647 : i32
      %ne3A_1665 = arith.constant 0 : i32
      %ne3A_1666 = arith.cmpi ne, %rem3A_1664, %ne3A_1665 : i32
      %and3A_1667 = arith.andi %ne3A_1663, %ne3A_1666 : i1
      %sub3A_1668 = arith.constant 1 : i32
      %sub3A_1669 = arith.subi %div3A_1648, %sub3A_1668 : i32
      %select_n3A_1670 = arith.select %and3A_1667, %sub3A_1669, %div3A_1648 : i32
      %jit3A_1671 = arith.constant 2 : i32
      %eq3A_1672 = arith.constant 0 : i32
      %eq3A_1673 = arith.cmpi eq, %jit3A_1671, %eq3A_1672 : i32
      %jit3A_1674 = arith.constant 1 : i32
      %select_n3A_1675 = arith.select %eq3A_1673, %jit3A_1674, %jit3A_1671 : i32
      %rem3A_1676 = arith.remsi %add3A_1646, %select_n3A_1675 : i32
      %ne3A_1677 = arith.constant 0 : i32
      %ne3A_1678 = arith.cmpi ne, %rem3A_1676, %ne3A_1677 : i32
      %lt3A_1679 = arith.constant 0 : i32
      %lt3A_1680 = arith.cmpi slt, %rem3A_1676, %lt3A_1679 : i32
      %lt3A_1681 = arith.constant 0 : i32
      %lt3A_1682 = arith.cmpi slt, %select_n3A_1675, %lt3A_1681 : i32
      %ne3A_1683 = arith.xori %lt3A_1680, %lt3A_1682 : i1
      %and3A_1684 = arith.andi %ne3A_1683, %ne3A_1678 : i1
      %add3A_1685 = arith.addi %rem3A_1676, %select_n3A_1675 : i32
      %select_n3A_1686 = arith.select %and3A_1684, %add3A_1685, %rem3A_1676 : i32
      %mul3A_1687 = arith.constant 64 : i32
      %mul3A_1688 = arith.muli %select_n3A_1686, %mul3A_1687 : i32
      %dma_wait3A_1689 = arith.constant 8 : i32
      %dma_wait3A_1690 = arith.constant 0 : i32
      %dma_wait3A_1691 = arith.constant 0 : i32
      %dma_wait3A_1692 = tpu.memref_slice %arg6[%dma_wait3A_1689, %dma_wait3A_1690, %dma_wait3A_1691] : memref<10x64x128xf32, #tpu.memory_space<vmem>> -> memref<1x64x128xf32, #tpu.memory_space<vmem>>
      %dma_wait3A_1693 = tpu.memref_squeeze %dma_wait3A_1692 : memref<1x64x128xf32, #tpu.memory_space<vmem>> -> memref<64x128xf32, #tpu.memory_space<vmem>>
      %dma_wait3A_1694 = tpu.memref_slice %arg5[%select_n3A_1670, %mul3A_1688] : memref<50x128xi32, #tpu.memory_space<vmem>> -> memref<1x64xi32, #tpu.memory_space<vmem>>
      %dma_wait3A_1695 = tpu.memref_squeeze %dma_wait3A_1694 : memref<1x64xi32, #tpu.memory_space<vmem>> -> memref<64xi32, #tpu.memory_space<vmem>>
      %dma_wait3A_1696 = arith.constant 0 : i32
      %dma_wait3A_1697 = arith.constant 0 : i32
      %dma_wait3A_1698 = tpu.memref_slice %arg3[%dma_wait3A_1696, %dma_wait3A_1697] : memref<100000x128xf32, #tpu.memory_space<hbm>> -> memref<100000x128xf32, #tpu.memory_space<hbm>>
      tpu.wait_indirect_dma semaphore(%arg15 : memref<!tpu.dma_semaphore, #tpu.memory_space<semaphore_mem>>) src(%dma_wait3A_1698 : memref<100000x128xf32, #tpu.memory_space<hbm>>) dst(%dma_wait3A_1693 : memref<64x128xf32, #tpu.memory_space<vmem>>)
      %jit3A_1699 = arith.constant 2 : i32
      %div3A_1700 = arith.divsi %add3A_1646, %jit3A_1699 : i32
      %sign3A_1701 = arith.constant 0 : i32
      %sign3A_1702 = arith.cmpi sgt, %add3A_1646, %sign3A_1701 : i32
      %sign3A_1703 = arith.extui %sign3A_1702 : i1 to i32
      %sign3A_1704 = arith.constant 0 : i32
      %sign3A_1705 = arith.cmpi slt, %add3A_1646, %sign3A_1704 : i32
      %sign3A_1706 = arith.extui %sign3A_1705 : i1 to i32
      %sign3A_1707 = arith.subi %sign3A_1703, %sign3A_1706 : i32
      %sign3A_1708 = arith.constant 0 : i32
      %sign3A_1709 = arith.cmpi sgt, %jit3A_1699, %sign3A_1708 : i32
      %sign3A_1710 = arith.extui %sign3A_1709 : i1 to i32
      %sign3A_1711 = arith.constant 0 : i32
      %sign3A_1712 = arith.cmpi slt, %jit3A_1699, %sign3A_1711 : i32
      %sign3A_1713 = arith.extui %sign3A_1712 : i1 to i32
      %sign3A_1714 = arith.subi %sign3A_1710, %sign3A_1713 : i32
      %ne3A_1715 = arith.cmpi ne, %sign3A_1707, %sign3A_1714 : i32
      %rem3A_1716 = arith.remsi %add3A_1646, %jit3A_1699 : i32
      %ne3A_1717 = arith.constant 0 : i32
      %ne3A_1718 = arith.cmpi ne, %rem3A_1716, %ne3A_1717 : i32
      %and3A_1719 = arith.andi %ne3A_1715, %ne3A_1718 : i1
      %sub3A_1720 = arith.constant 1 : i32
      %sub3A_1721 = arith.subi %div3A_1700, %sub3A_1720 : i32
      %select_n3A_1722 = arith.select %and3A_1719, %sub3A_1721, %div3A_1700 : i32
      %jit3A_1723 = arith.constant 2 : i32
      %eq3A_1724 = arith.constant 0 : i32
      %eq3A_1725 = arith.cmpi eq, %jit3A_1723, %eq3A_1724 : i32
      %jit3A_1726 = arith.constant 1 : i32
      %select_n3A_1727 = arith.select %eq3A_1725, %jit3A_1726, %jit3A_1723 : i32
      %rem3A_1728 = arith.remsi %add3A_1646, %select_n3A_1727 : i32
      %ne3A_1729 = arith.constant 0 : i32
      %ne3A_1730 = arith.cmpi ne, %rem3A_1728, %ne3A_1729 : i32
      %lt3A_1731 = arith.constant 0 : i32
      %lt3A_1732 = arith.cmpi slt, %rem3A_1728, %lt3A_1731 : i32
      %lt3A_1733 = arith.constant 0 : i32
      %lt3A_1734 = arith.cmpi slt, %select_n3A_1727, %lt3A_1733 : i32
      %ne3A_1735 = arith.xori %lt3A_1732, %lt3A_1734 : i1
      %and3A_1736 = arith.andi %ne3A_1735, %ne3A_1730 : i1
      %add3A_1737 = arith.addi %rem3A_1728, %select_n3A_1727 : i32
      %select_n3A_1738 = arith.select %and3A_1736, %add3A_1737, %rem3A_1728 : i32
      %mul3A_1739 = arith.constant 64 : i32
      %mul3A_1740 = arith.muli %select_n3A_1738, %mul3A_1739 : i32
      %add3A_1741 = arith.addi %mul3A_2, %mul3A_1740 : i32
      %dma_start3A_1742 = arith.constant 8 : i32
      %dma_start3A_1743 = arith.constant 0 : i32
      %dma_start3A_1744 = arith.constant 0 : i32
      %dma_start3A_1745 = tpu.memref_slice %arg6[%dma_start3A_1742, %dma_start3A_1743, %dma_start3A_1744] : memref<10x64x128xf32, #tpu.memory_space<vmem>> -> memref<1x64x128xf32, #tpu.memory_space<vmem>>
      %dma_start3A_1746 = tpu.memref_squeeze %dma_start3A_1745 : memref<1x64x128xf32, #tpu.memory_space<vmem>> -> memref<64x128xf32, #tpu.memory_space<vmem>>
      %dma_start3A_1747 = arith.constant 0 : i32
      %dma_start3A_1748 = tpu.memref_slice %arg4[%select_n3A_1722, %add3A_1741, %dma_start3A_1747] : memref<50x4096x128xf32, #tpu.memory_space<hbm>> -> memref<1x64x128xf32, #tpu.memory_space<hbm>>
      %dma_start3A_1749 = tpu.memref_squeeze %dma_start3A_1748 : memref<1x64x128xf32, #tpu.memory_space<hbm>> -> memref<64x128xf32, #tpu.memory_space<hbm>>
      %dma_start3A_1750 = arith.constant 0 : i32
      %dma_start3A_1751 = tpu.memref_slice %arg4[%select_n3A_1722, %add3A_1741, %dma_start3A_1750] : memref<50x4096x128xf32, #tpu.memory_space<hbm>> -> memref<1x64x128xf32, #tpu.memory_space<hbm>>
      %dma_start3A_1752 = tpu.memref_squeeze %dma_start3A_1751 : memref<1x64x128xf32, #tpu.memory_space<hbm>> -> memref<64x128xf32, #tpu.memory_space<hbm>>
      %dma_start3A_1753 = arith.constant 0 : i32
      %dma_start3A_1754 = arith.constant 0 : i32
      %dma_start3A_1755 = tpu.memref_slice %arg6[%dma_start3A_1742, %dma_start3A_1753, %dma_start3A_1754] : memref<10x64x128xf32, #tpu.memory_space<vmem>> -> memref<1x64x128xf32, #tpu.memory_space<vmem>>
      %dma_start3A_1756 = tpu.memref_squeeze %dma_start3A_1755 : memref<1x64x128xf32, #tpu.memory_space<vmem>> -> memref<64x128xf32, #tpu.memory_space<vmem>>
      tpu.enqueue_dma source(%dma_start3A_1756 : memref<64x128xf32, #tpu.memory_space<vmem>>) target(%dma_start3A_1752 : memref<64x128xf32, #tpu.memory_space<hbm>>) target_semaphore(%arg25 : memref<!tpu.dma_semaphore, #tpu.memory_space<semaphore_mem>>)
      %add3A_1757 = arith.constant 9 : i32
      %add3A_1758 = arith.addi %mul3A_172, %add3A_1757 : i32
      %jit3A_1759 = arith.constant 2 : i32
      %div3A_1760 = arith.divsi %add3A_1758, %jit3A_1759 : i32
      %sign3A_1761 = arith.constant 0 : i32
      %sign3A_1762 = arith.cmpi sgt, %add3A_1758, %sign3A_1761 : i32
      %sign3A_1763 = arith.extui %sign3A_1762 : i1 to i32
      %sign3A_1764 = arith.constant 0 : i32
      %sign3A_1765 = arith.cmpi slt, %add3A_1758, %sign3A_1764 : i32
      %sign3A_1766 = arith.extui %sign3A_1765 : i1 to i32
      %sign3A_1767 = arith.subi %sign3A_1763, %sign3A_1766 : i32
      %sign3A_1768 = arith.constant 0 : i32
      %sign3A_1769 = arith.cmpi sgt, %jit3A_1759, %sign3A_1768 : i32
      %sign3A_1770 = arith.extui %sign3A_1769 : i1 to i32
      %sign3A_1771 = arith.constant 0 : i32
      %sign3A_1772 = arith.cmpi slt, %jit3A_1759, %sign3A_1771 : i32
      %sign3A_1773 = arith.extui %sign3A_1772 : i1 to i32
      %sign3A_1774 = arith.subi %sign3A_1770, %sign3A_1773 : i32
      %ne3A_1775 = arith.cmpi ne, %sign3A_1767, %sign3A_1774 : i32
      %rem3A_1776 = arith.remsi %add3A_1758, %jit3A_1759 : i32
      %ne3A_1777 = arith.constant 0 : i32
      %ne3A_1778 = arith.cmpi ne, %rem3A_1776, %ne3A_1777 : i32
      %and3A_1779 = arith.andi %ne3A_1775, %ne3A_1778 : i1
      %sub3A_1780 = arith.constant 1 : i32
      %sub3A_1781 = arith.subi %div3A_1760, %sub3A_1780 : i32
      %select_n3A_1782 = arith.select %and3A_1779, %sub3A_1781, %div3A_1760 : i32
      %jit3A_1783 = arith.constant 2 : i32
      %eq3A_1784 = arith.constant 0 : i32
      %eq3A_1785 = arith.cmpi eq, %jit3A_1783, %eq3A_1784 : i32
      %jit3A_1786 = arith.constant 1 : i32
      %select_n3A_1787 = arith.select %eq3A_1785, %jit3A_1786, %jit3A_1783 : i32
      %rem3A_1788 = arith.remsi %add3A_1758, %select_n3A_1787 : i32
      %ne3A_1789 = arith.constant 0 : i32
      %ne3A_1790 = arith.cmpi ne, %rem3A_1788, %ne3A_1789 : i32
      %lt3A_1791 = arith.constant 0 : i32
      %lt3A_1792 = arith.cmpi slt, %rem3A_1788, %lt3A_1791 : i32
      %lt3A_1793 = arith.constant 0 : i32
      %lt3A_1794 = arith.cmpi slt, %select_n3A_1787, %lt3A_1793 : i32
      %ne3A_1795 = arith.xori %lt3A_1792, %lt3A_1794 : i1
      %and3A_1796 = arith.andi %ne3A_1795, %ne3A_1790 : i1
      %add3A_1797 = arith.addi %rem3A_1788, %select_n3A_1787 : i32
      %select_n3A_1798 = arith.select %and3A_1796, %add3A_1797, %rem3A_1788 : i32
      %mul3A_1799 = arith.constant 64 : i32
      %mul3A_1800 = arith.muli %select_n3A_1798, %mul3A_1799 : i32
      %dma_wait3A_1801 = arith.constant 9 : i32
      %dma_wait3A_1802 = arith.constant 0 : i32
      %dma_wait3A_1803 = arith.constant 0 : i32
      %dma_wait3A_1804 = tpu.memref_slice %arg6[%dma_wait3A_1801, %dma_wait3A_1802, %dma_wait3A_1803] : memref<10x64x128xf32, #tpu.memory_space<vmem>> -> memref<1x64x128xf32, #tpu.memory_space<vmem>>
      %dma_wait3A_1805 = tpu.memref_squeeze %dma_wait3A_1804 : memref<1x64x128xf32, #tpu.memory_space<vmem>> -> memref<64x128xf32, #tpu.memory_space<vmem>>
      %dma_wait3A_1806 = tpu.memref_slice %arg5[%select_n3A_1782, %mul3A_1800] : memref<50x128xi32, #tpu.memory_space<vmem>> -> memref<1x64xi32, #tpu.memory_space<vmem>>
      %dma_wait3A_1807 = tpu.memref_squeeze %dma_wait3A_1806 : memref<1x64xi32, #tpu.memory_space<vmem>> -> memref<64xi32, #tpu.memory_space<vmem>>
      %dma_wait3A_1808 = arith.constant 0 : i32
      %dma_wait3A_1809 = arith.constant 0 : i32
      %dma_wait3A_1810 = tpu.memref_slice %arg3[%dma_wait3A_1808, %dma_wait3A_1809] : memref<100000x128xf32, #tpu.memory_space<hbm>> -> memref<100000x128xf32, #tpu.memory_space<hbm>>
      tpu.wait_indirect_dma semaphore(%arg16 : memref<!tpu.dma_semaphore, #tpu.memory_space<semaphore_mem>>) src(%dma_wait3A_1810 : memref<100000x128xf32, #tpu.memory_space<hbm>>) dst(%dma_wait3A_1805 : memref<64x128xf32, #tpu.memory_space<vmem>>)
      %jit3A_1811 = arith.constant 2 : i32
      %div3A_1812 = arith.divsi %add3A_1758, %jit3A_1811 : i32
      %sign3A_1813 = arith.constant 0 : i32
      %sign3A_1814 = arith.cmpi sgt, %add3A_1758, %sign3A_1813 : i32
      %sign3A_1815 = arith.extui %sign3A_1814 : i1 to i32
      %sign3A_1816 = arith.constant 0 : i32
      %sign3A_1817 = arith.cmpi slt, %add3A_1758, %sign3A_1816 : i32
      %sign3A_1818 = arith.extui %sign3A_1817 : i1 to i32
      %sign3A_1819 = arith.subi %sign3A_1815, %sign3A_1818 : i32
      %sign3A_1820 = arith.constant 0 : i32
      %sign3A_1821 = arith.cmpi sgt, %jit3A_1811, %sign3A_1820 : i32
      %sign3A_1822 = arith.extui %sign3A_1821 : i1 to i32
      %sign3A_1823 = arith.constant 0 : i32
      %sign3A_1824 = arith.cmpi slt, %jit3A_1811, %sign3A_1823 : i32
      %sign3A_1825 = arith.extui %sign3A_1824 : i1 to i32
      %sign3A_1826 = arith.subi %sign3A_1822, %sign3A_1825 : i32
      %ne3A_1827 = arith.cmpi ne, %sign3A_1819, %sign3A_1826 : i32
      %rem3A_1828 = arith.remsi %add3A_1758, %jit3A_1811 : i32
      %ne3A_1829 = arith.constant 0 : i32
      %ne3A_1830 = arith.cmpi ne, %rem3A_1828, %ne3A_1829 : i32
      %and3A_1831 = arith.andi %ne3A_1827, %ne3A_1830 : i1
      %sub3A_1832 = arith.constant 1 : i32
      %sub3A_1833 = arith.subi %div3A_1812, %sub3A_1832 : i32
      %select_n3A_1834 = arith.select %and3A_1831, %sub3A_1833, %div3A_1812 : i32
      %jit3A_1835 = arith.constant 2 : i32
      %eq3A_1836 = arith.constant 0 : i32
      %eq3A_1837 = arith.cmpi eq, %jit3A_1835, %eq3A_1836 : i32
      %jit3A_1838 = arith.constant 1 : i32
      %select_n3A_1839 = arith.select %eq3A_1837, %jit3A_1838, %jit3A_1835 : i32
      %rem3A_1840 = arith.remsi %add3A_1758, %select_n3A_1839 : i32
      %ne3A_1841 = arith.constant 0 : i32
      %ne3A_1842 = arith.cmpi ne, %rem3A_1840, %ne3A_1841 : i32
      %lt3A_1843 = arith.constant 0 : i32
      %lt3A_1844 = arith.cmpi slt, %rem3A_1840, %lt3A_1843 : i32
      %lt3A_1845 = arith.constant 0 : i32
      %lt3A_1846 = arith.cmpi slt, %select_n3A_1839, %lt3A_1845 : i32
      %ne3A_1847 = arith.xori %lt3A_1844, %lt3A_1846 : i1
      %and3A_1848 = arith.andi %ne3A_1847, %ne3A_1842 : i1
      %add3A_1849 = arith.addi %rem3A_1840, %select_n3A_1839 : i32
      %select_n3A_1850 = arith.select %and3A_1848, %add3A_1849, %rem3A_1840 : i32
      %mul3A_1851 = arith.constant 64 : i32
      %mul3A_1852 = arith.muli %select_n3A_1850, %mul3A_1851 : i32
      %add3A_1853 = arith.addi %mul3A_2, %mul3A_1852 : i32
      %dma_start3A_1854 = arith.constant 9 : i32
      %dma_start3A_1855 = arith.constant 0 : i32
      %dma_start3A_1856 = arith.constant 0 : i32
      %dma_start3A_1857 = tpu.memref_slice %arg6[%dma_start3A_1854, %dma_start3A_1855, %dma_start3A_1856] : memref<10x64x128xf32, #tpu.memory_space<vmem>> -> memref<1x64x128xf32, #tpu.memory_space<vmem>>
      %dma_start3A_1858 = tpu.memref_squeeze %dma_start3A_1857 : memref<1x64x128xf32, #tpu.memory_space<vmem>> -> memref<64x128xf32, #tpu.memory_space<vmem>>
      %dma_start3A_1859 = arith.constant 0 : i32
      %dma_start3A_1860 = tpu.memref_slice %arg4[%select_n3A_1834, %add3A_1853, %dma_start3A_1859] : memref<50x4096x128xf32, #tpu.memory_space<hbm>> -> memref<1x64x128xf32, #tpu.memory_space<hbm>>
      %dma_start3A_1861 = tpu.memref_squeeze %dma_start3A_1860 : memref<1x64x128xf32, #tpu.memory_space<hbm>> -> memref<64x128xf32, #tpu.memory_space<hbm>>
      %dma_start3A_1862 = arith.constant 0 : i32
      %dma_start3A_1863 = tpu.memref_slice %arg4[%select_n3A_1834, %add3A_1853, %dma_start3A_1862] : memref<50x4096x128xf32, #tpu.memory_space<hbm>> -> memref<1x64x128xf32, #tpu.memory_space<hbm>>
      %dma_start3A_1864 = tpu.memref_squeeze %dma_start3A_1863 : memref<1x64x128xf32, #tpu.memory_space<hbm>> -> memref<64x128xf32, #tpu.memory_space<hbm>>
      %dma_start3A_1865 = arith.constant 0 : i32
      %dma_start3A_1866 = arith.constant 0 : i32
      %dma_start3A_1867 = tpu.memref_slice %arg6[%dma_start3A_1854, %dma_start3A_1865, %dma_start3A_1866] : memref<10x64x128xf32, #tpu.memory_space<vmem>> -> memref<1x64x128xf32, #tpu.memory_space<vmem>>
      %dma_start3A_1868 = tpu.memref_squeeze %dma_start3A_1867 : memref<1x64x128xf32, #tpu.memory_space<vmem>> -> memref<64x128xf32, #tpu.memory_space<vmem>>
      tpu.enqueue_dma source(%dma_start3A_1868 : memref<64x128xf32, #tpu.memory_space<vmem>>) target(%dma_start3A_1864 : memref<64x128xf32, #tpu.memory_space<hbm>>) target_semaphore(%arg26 : memref<!tpu.dma_semaphore, #tpu.memory_space<semaphore_mem>>)
    }
    %scan3A_6 = arith.constant 10 : i32
    %dma_wait3A = arith.constant 0 : i32
    %dma_wait3A_7 = arith.constant 0 : i32
    %dma_wait3A_8 = arith.constant 0 : i32
    %dma_wait3A_9 = arith.constant 0 : i32
    %dma_wait3A_10 = tpu.memref_slice %arg6[%dma_wait3A, %dma_wait3A_8, %dma_wait3A_9] : memref<10x64x128xf32, #tpu.memory_space<vmem>> -> memref<1x64x128xf32, #tpu.memory_space<vmem>>
    %dma_wait3A_11 = tpu.memref_squeeze %dma_wait3A_10 : memref<1x64x128xf32, #tpu.memory_space<vmem>> -> memref<64x128xf32, #tpu.memory_space<vmem>>
    %dma_wait3A_12 = arith.constant 0 : i32
    %dma_wait3A_13 = tpu.memref_slice %arg4[%dma_wait3A_7, %mul3A_2, %dma_wait3A_12] : memref<50x4096x128xf32, #tpu.memory_space<hbm>> -> memref<1x64x128xf32, #tpu.memory_space<hbm>>
    %dma_wait3A_14 = tpu.memref_squeeze %dma_wait3A_13 : memref<1x64x128xf32, #tpu.memory_space<hbm>> -> memref<64x128xf32, #tpu.memory_space<hbm>>
    %dma_wait3A_15 = arith.constant 0 : i32
    %dma_wait3A_16 = tpu.memref_slice %arg4[%dma_wait3A_7, %mul3A_2, %dma_wait3A_15] : memref<50x4096x128xf32, #tpu.memory_space<hbm>> -> memref<1x64x128xf32, #tpu.memory_space<hbm>>
    %dma_wait3A_17 = tpu.memref_squeeze %dma_wait3A_16 : memref<1x64x128xf32, #tpu.memory_space<hbm>> -> memref<64x128xf32, #tpu.memory_space<hbm>>
    %dma_wait3A_18 = arith.constant 0 : i32
    %dma_wait3A_19 = arith.constant 0 : i32
    %dma_wait3A_20 = tpu.memref_slice %arg6[%dma_wait3A, %dma_wait3A_18, %dma_wait3A_19] : memref<10x64x128xf32, #tpu.memory_space<vmem>> -> memref<1x64x128xf32, #tpu.memory_space<vmem>>
    %dma_wait3A_21 = tpu.memref_squeeze %dma_wait3A_20 : memref<1x64x128xf32, #tpu.memory_space<vmem>> -> memref<64x128xf32, #tpu.memory_space<vmem>>
    tpu.wait_dma2 semaphore(%arg17 : memref<!tpu.dma_semaphore, #tpu.memory_space<semaphore_mem>>) src(%dma_wait3A_21 : memref<64x128xf32, #tpu.memory_space<vmem>>) dst(%dma_wait3A_17 : memref<64x128xf32, #tpu.memory_space<hbm>>)
    %dma_wait3A_22 = arith.constant 1 : i32
    %dma_wait3A_23 = arith.constant 0 : i32
    %dma_wait3A_24 = arith.constant 0 : i32
    %dma_wait3A_25 = arith.constant 0 : i32
    %dma_wait3A_26 = tpu.memref_slice %arg6[%dma_wait3A_22, %dma_wait3A_24, %dma_wait3A_25] : memref<10x64x128xf32, #tpu.memory_space<vmem>> -> memref<1x64x128xf32, #tpu.memory_space<vmem>>
    %dma_wait3A_27 = tpu.memref_squeeze %dma_wait3A_26 : memref<1x64x128xf32, #tpu.memory_space<vmem>> -> memref<64x128xf32, #tpu.memory_space<vmem>>
    %dma_wait3A_28 = arith.constant 0 : i32
    %dma_wait3A_29 = tpu.memref_slice %arg4[%dma_wait3A_23, %mul3A_2, %dma_wait3A_28] : memref<50x4096x128xf32, #tpu.memory_space<hbm>> -> memref<1x64x128xf32, #tpu.memory_space<hbm>>
    %dma_wait3A_30 = tpu.memref_squeeze %dma_wait3A_29 : memref<1x64x128xf32, #tpu.memory_space<hbm>> -> memref<64x128xf32, #tpu.memory_space<hbm>>
    %dma_wait3A_31 = arith.constant 0 : i32
    %dma_wait3A_32 = tpu.memref_slice %arg4[%dma_wait3A_23, %mul3A_2, %dma_wait3A_31] : memref<50x4096x128xf32, #tpu.memory_space<hbm>> -> memref<1x64x128xf32, #tpu.memory_space<hbm>>
    %dma_wait3A_33 = tpu.memref_squeeze %dma_wait3A_32 : memref<1x64x128xf32, #tpu.memory_space<hbm>> -> memref<64x128xf32, #tpu.memory_space<hbm>>
    %dma_wait3A_34 = arith.constant 0 : i32
    %dma_wait3A_35 = arith.constant 0 : i32
    %dma_wait3A_36 = tpu.memref_slice %arg6[%dma_wait3A_22, %dma_wait3A_34, %dma_wait3A_35] : memref<10x64x128xf32, #tpu.memory_space<vmem>> -> memref<1x64x128xf32, #tpu.memory_space<vmem>>
    %dma_wait3A_37 = tpu.memref_squeeze %dma_wait3A_36 : memref<1x64x128xf32, #tpu.memory_space<vmem>> -> memref<64x128xf32, #tpu.memory_space<vmem>>
    tpu.wait_dma2 semaphore(%arg18 : memref<!tpu.dma_semaphore, #tpu.memory_space<semaphore_mem>>) src(%dma_wait3A_37 : memref<64x128xf32, #tpu.memory_space<vmem>>) dst(%dma_wait3A_33 : memref<64x128xf32, #tpu.memory_space<hbm>>)
    %dma_wait3A_38 = arith.constant 2 : i32
    %dma_wait3A_39 = arith.constant 0 : i32
    %dma_wait3A_40 = arith.constant 0 : i32
    %dma_wait3A_41 = arith.constant 0 : i32
    %dma_wait3A_42 = tpu.memref_slice %arg6[%dma_wait3A_38, %dma_wait3A_40, %dma_wait3A_41] : memref<10x64x128xf32, #tpu.memory_space<vmem>> -> memref<1x64x128xf32, #tpu.memory_space<vmem>>
    %dma_wait3A_43 = tpu.memref_squeeze %dma_wait3A_42 : memref<1x64x128xf32, #tpu.memory_space<vmem>> -> memref<64x128xf32, #tpu.memory_space<vmem>>
    %dma_wait3A_44 = arith.constant 0 : i32
    %dma_wait3A_45 = tpu.memref_slice %arg4[%dma_wait3A_39, %mul3A_2, %dma_wait3A_44] : memref<50x4096x128xf32, #tpu.memory_space<hbm>> -> memref<1x64x128xf32, #tpu.memory_space<hbm>>
    %dma_wait3A_46 = tpu.memref_squeeze %dma_wait3A_45 : memref<1x64x128xf32, #tpu.memory_space<hbm>> -> memref<64x128xf32, #tpu.memory_space<hbm>>
    %dma_wait3A_47 = arith.constant 0 : i32
    %dma_wait3A_48 = tpu.memref_slice %arg4[%dma_wait3A_39, %mul3A_2, %dma_wait3A_47] : memref<50x4096x128xf32, #tpu.memory_space<hbm>> -> memref<1x64x128xf32, #tpu.memory_space<hbm>>
    %dma_wait3A_49 = tpu.memref_squeeze %dma_wait3A_48 : memref<1x64x128xf32, #tpu.memory_space<hbm>> -> memref<64x128xf32, #tpu.memory_space<hbm>>
    %dma_wait3A_50 = arith.constant 0 : i32
    %dma_wait3A_51 = arith.constant 0 : i32
    %dma_wait3A_52 = tpu.memref_slice %arg6[%dma_wait3A_38, %dma_wait3A_50, %dma_wait3A_51] : memref<10x64x128xf32, #tpu.memory_space<vmem>> -> memref<1x64x128xf32, #tpu.memory_space<vmem>>
    %dma_wait3A_53 = tpu.memref_squeeze %dma_wait3A_52 : memref<1x64x128xf32, #tpu.memory_space<vmem>> -> memref<64x128xf32, #tpu.memory_space<vmem>>
    tpu.wait_dma2 semaphore(%arg19 : memref<!tpu.dma_semaphore, #tpu.memory_space<semaphore_mem>>) src(%dma_wait3A_53 : memref<64x128xf32, #tpu.memory_space<vmem>>) dst(%dma_wait3A_49 : memref<64x128xf32, #tpu.memory_space<hbm>>)
    %dma_wait3A_54 = arith.constant 3 : i32
    %dma_wait3A_55 = arith.constant 0 : i32
    %dma_wait3A_56 = arith.constant 0 : i32
    %dma_wait3A_57 = arith.constant 0 : i32
    %dma_wait3A_58 = tpu.memref_slice %arg6[%dma_wait3A_54, %dma_wait3A_56, %dma_wait3A_57] : memref<10x64x128xf32, #tpu.memory_space<vmem>> -> memref<1x64x128xf32, #tpu.memory_space<vmem>>
    %dma_wait3A_59 = tpu.memref_squeeze %dma_wait3A_58 : memref<1x64x128xf32, #tpu.memory_space<vmem>> -> memref<64x128xf32, #tpu.memory_space<vmem>>
    %dma_wait3A_60 = arith.constant 0 : i32
    %dma_wait3A_61 = tpu.memref_slice %arg4[%dma_wait3A_55, %mul3A_2, %dma_wait3A_60] : memref<50x4096x128xf32, #tpu.memory_space<hbm>> -> memref<1x64x128xf32, #tpu.memory_space<hbm>>
    %dma_wait3A_62 = tpu.memref_squeeze %dma_wait3A_61 : memref<1x64x128xf32, #tpu.memory_space<hbm>> -> memref<64x128xf32, #tpu.memory_space<hbm>>
    %dma_wait3A_63 = arith.constant 0 : i32
    %dma_wait3A_64 = tpu.memref_slice %arg4[%dma_wait3A_55, %mul3A_2, %dma_wait3A_63] : memref<50x4096x128xf32, #tpu.memory_space<hbm>> -> memref<1x64x128xf32, #tpu.memory_space<hbm>>
    %dma_wait3A_65 = tpu.memref_squeeze %dma_wait3A_64 : memref<1x64x128xf32, #tpu.memory_space<hbm>> -> memref<64x128xf32, #tpu.memory_space<hbm>>
    %dma_wait3A_66 = arith.constant 0 : i32
    %dma_wait3A_67 = arith.constant 0 : i32
    %dma_wait3A_68 = tpu.memref_slice %arg6[%dma_wait3A_54, %dma_wait3A_66, %dma_wait3A_67] : memref<10x64x128xf32, #tpu.memory_space<vmem>> -> memref<1x64x128xf32, #tpu.memory_space<vmem>>
    %dma_wait3A_69 = tpu.memref_squeeze %dma_wait3A_68 : memref<1x64x128xf32, #tpu.memory_space<vmem>> -> memref<64x128xf32, #tpu.memory_space<vmem>>
    tpu.wait_dma2 semaphore(%arg20 : memref<!tpu.dma_semaphore, #tpu.memory_space<semaphore_mem>>) src(%dma_wait3A_69 : memref<64x128xf32, #tpu.memory_space<vmem>>) dst(%dma_wait3A_65 : memref<64x128xf32, #tpu.memory_space<hbm>>)
    %dma_wait3A_70 = arith.constant 4 : i32
    %dma_wait3A_71 = arith.constant 0 : i32
    %dma_wait3A_72 = arith.constant 0 : i32
    %dma_wait3A_73 = arith.constant 0 : i32
    %dma_wait3A_74 = tpu.memref_slice %arg6[%dma_wait3A_70, %dma_wait3A_72, %dma_wait3A_73] : memref<10x64x128xf32, #tpu.memory_space<vmem>> -> memref<1x64x128xf32, #tpu.memory_space<vmem>>
    %dma_wait3A_75 = tpu.memref_squeeze %dma_wait3A_74 : memref<1x64x128xf32, #tpu.memory_space<vmem>> -> memref<64x128xf32, #tpu.memory_space<vmem>>
    %dma_wait3A_76 = arith.constant 0 : i32
    %dma_wait3A_77 = tpu.memref_slice %arg4[%dma_wait3A_71, %mul3A_2, %dma_wait3A_76] : memref<50x4096x128xf32, #tpu.memory_space<hbm>> -> memref<1x64x128xf32, #tpu.memory_space<hbm>>
    %dma_wait3A_78 = tpu.memref_squeeze %dma_wait3A_77 : memref<1x64x128xf32, #tpu.memory_space<hbm>> -> memref<64x128xf32, #tpu.memory_space<hbm>>
    %dma_wait3A_79 = arith.constant 0 : i32
    %dma_wait3A_80 = tpu.memref_slice %arg4[%dma_wait3A_71, %mul3A_2, %dma_wait3A_79] : memref<50x4096x128xf32, #tpu.memory_space<hbm>> -> memref<1x64x128xf32, #tpu.memory_space<hbm>>
    %dma_wait3A_81 = tpu.memref_squeeze %dma_wait3A_80 : memref<1x64x128xf32, #tpu.memory_space<hbm>> -> memref<64x128xf32, #tpu.memory_space<hbm>>
    %dma_wait3A_82 = arith.constant 0 : i32
    %dma_wait3A_83 = arith.constant 0 : i32
    %dma_wait3A_84 = tpu.memref_slice %arg6[%dma_wait3A_70, %dma_wait3A_82, %dma_wait3A_83] : memref<10x64x128xf32, #tpu.memory_space<vmem>> -> memref<1x64x128xf32, #tpu.memory_space<vmem>>
    %dma_wait3A_85 = tpu.memref_squeeze %dma_wait3A_84 : memref<1x64x128xf32, #tpu.memory_space<vmem>> -> memref<64x128xf32, #tpu.memory_space<vmem>>
    tpu.wait_dma2 semaphore(%arg21 : memref<!tpu.dma_semaphore, #tpu.memory_space<semaphore_mem>>) src(%dma_wait3A_85 : memref<64x128xf32, #tpu.memory_space<vmem>>) dst(%dma_wait3A_81 : memref<64x128xf32, #tpu.memory_space<hbm>>)
    %dma_wait3A_86 = arith.constant 5 : i32
    %dma_wait3A_87 = arith.constant 0 : i32
    %dma_wait3A_88 = arith.constant 0 : i32
    %dma_wait3A_89 = arith.constant 0 : i32
    %dma_wait3A_90 = tpu.memref_slice %arg6[%dma_wait3A_86, %dma_wait3A_88, %dma_wait3A_89] : memref<10x64x128xf32, #tpu.memory_space<vmem>> -> memref<1x64x128xf32, #tpu.memory_space<vmem>>
    %dma_wait3A_91 = tpu.memref_squeeze %dma_wait3A_90 : memref<1x64x128xf32, #tpu.memory_space<vmem>> -> memref<64x128xf32, #tpu.memory_space<vmem>>
    %dma_wait3A_92 = arith.constant 0 : i32
    %dma_wait3A_93 = tpu.memref_slice %arg4[%dma_wait3A_87, %mul3A_2, %dma_wait3A_92] : memref<50x4096x128xf32, #tpu.memory_space<hbm>> -> memref<1x64x128xf32, #tpu.memory_space<hbm>>
    %dma_wait3A_94 = tpu.memref_squeeze %dma_wait3A_93 : memref<1x64x128xf32, #tpu.memory_space<hbm>> -> memref<64x128xf32, #tpu.memory_space<hbm>>
    %dma_wait3A_95 = arith.constant 0 : i32
    %dma_wait3A_96 = tpu.memref_slice %arg4[%dma_wait3A_87, %mul3A_2, %dma_wait3A_95] : memref<50x4096x128xf32, #tpu.memory_space<hbm>> -> memref<1x64x128xf32, #tpu.memory_space<hbm>>
    %dma_wait3A_97 = tpu.memref_squeeze %dma_wait3A_96 : memref<1x64x128xf32, #tpu.memory_space<hbm>> -> memref<64x128xf32, #tpu.memory_space<hbm>>
    %dma_wait3A_98 = arith.constant 0 : i32
    %dma_wait3A_99 = arith.constant 0 : i32
    %dma_wait3A_100 = tpu.memref_slice %arg6[%dma_wait3A_86, %dma_wait3A_98, %dma_wait3A_99] : memref<10x64x128xf32, #tpu.memory_space<vmem>> -> memref<1x64x128xf32, #tpu.memory_space<vmem>>
    %dma_wait3A_101 = tpu.memref_squeeze %dma_wait3A_100 : memref<1x64x128xf32, #tpu.memory_space<vmem>> -> memref<64x128xf32, #tpu.memory_space<vmem>>
    tpu.wait_dma2 semaphore(%arg22 : memref<!tpu.dma_semaphore, #tpu.memory_space<semaphore_mem>>) src(%dma_wait3A_101 : memref<64x128xf32, #tpu.memory_space<vmem>>) dst(%dma_wait3A_97 : memref<64x128xf32, #tpu.memory_space<hbm>>)
    %dma_wait3A_102 = arith.constant 6 : i32
    %dma_wait3A_103 = arith.constant 0 : i32
    %dma_wait3A_104 = arith.constant 0 : i32
    %dma_wait3A_105 = arith.constant 0 : i32
    %dma_wait3A_106 = tpu.memref_slice %arg6[%dma_wait3A_102, %dma_wait3A_104, %dma_wait3A_105] : memref<10x64x128xf32, #tpu.memory_space<vmem>> -> memref<1x64x128xf32, #tpu.memory_space<vmem>>
    %dma_wait3A_107 = tpu.memref_squeeze %dma_wait3A_106 : memref<1x64x128xf32, #tpu.memory_space<vmem>> -> memref<64x128xf32, #tpu.memory_space<vmem>>
    %dma_wait3A_108 = arith.constant 0 : i32
    %dma_wait3A_109 = tpu.memref_slice %arg4[%dma_wait3A_103, %mul3A_2, %dma_wait3A_108] : memref<50x4096x128xf32, #tpu.memory_space<hbm>> -> memref<1x64x128xf32, #tpu.memory_space<hbm>>
    %dma_wait3A_110 = tpu.memref_squeeze %dma_wait3A_109 : memref<1x64x128xf32, #tpu.memory_space<hbm>> -> memref<64x128xf32, #tpu.memory_space<hbm>>
    %dma_wait3A_111 = arith.constant 0 : i32
    %dma_wait3A_112 = tpu.memref_slice %arg4[%dma_wait3A_103, %mul3A_2, %dma_wait3A_111] : memref<50x4096x128xf32, #tpu.memory_space<hbm>> -> memref<1x64x128xf32, #tpu.memory_space<hbm>>
    %dma_wait3A_113 = tpu.memref_squeeze %dma_wait3A_112 : memref<1x64x128xf32, #tpu.memory_space<hbm>> -> memref<64x128xf32, #tpu.memory_space<hbm>>
    %dma_wait3A_114 = arith.constant 0 : i32
    %dma_wait3A_115 = arith.constant 0 : i32
    %dma_wait3A_116 = tpu.memref_slice %arg6[%dma_wait3A_102, %dma_wait3A_114, %dma_wait3A_115] : memref<10x64x128xf32, #tpu.memory_space<vmem>> -> memref<1x64x128xf32, #tpu.memory_space<vmem>>
    %dma_wait3A_117 = tpu.memref_squeeze %dma_wait3A_116 : memref<1x64x128xf32, #tpu.memory_space<vmem>> -> memref<64x128xf32, #tpu.memory_space<vmem>>
    tpu.wait_dma2 semaphore(%arg23 : memref<!tpu.dma_semaphore, #tpu.memory_space<semaphore_mem>>) src(%dma_wait3A_117 : memref<64x128xf32, #tpu.memory_space<vmem>>) dst(%dma_wait3A_113 : memref<64x128xf32, #tpu.memory_space<hbm>>)
    %dma_wait3A_118 = arith.constant 7 : i32
    %dma_wait3A_119 = arith.constant 0 : i32
    %dma_wait3A_120 = arith.constant 0 : i32
    %dma_wait3A_121 = arith.constant 0 : i32
    %dma_wait3A_122 = tpu.memref_slice %arg6[%dma_wait3A_118, %dma_wait3A_120, %dma_wait3A_121] : memref<10x64x128xf32, #tpu.memory_space<vmem>> -> memref<1x64x128xf32, #tpu.memory_space<vmem>>
    %dma_wait3A_123 = tpu.memref_squeeze %dma_wait3A_122 : memref<1x64x128xf32, #tpu.memory_space<vmem>> -> memref<64x128xf32, #tpu.memory_space<vmem>>
    %dma_wait3A_124 = arith.constant 0 : i32
    %dma_wait3A_125 = tpu.memref_slice %arg4[%dma_wait3A_119, %mul3A_2, %dma_wait3A_124] : memref<50x4096x128xf32, #tpu.memory_space<hbm>> -> memref<1x64x128xf32, #tpu.memory_space<hbm>>
    %dma_wait3A_126 = tpu.memref_squeeze %dma_wait3A_125 : memref<1x64x128xf32, #tpu.memory_space<hbm>> -> memref<64x128xf32, #tpu.memory_space<hbm>>
    %dma_wait3A_127 = arith.constant 0 : i32
    %dma_wait3A_128 = tpu.memref_slice %arg4[%dma_wait3A_119, %mul3A_2, %dma_wait3A_127] : memref<50x4096x128xf32, #tpu.memory_space<hbm>> -> memref<1x64x128xf32, #tpu.memory_space<hbm>>
    %dma_wait3A_129 = tpu.memref_squeeze %dma_wait3A_128 : memref<1x64x128xf32, #tpu.memory_space<hbm>> -> memref<64x128xf32, #tpu.memory_space<hbm>>
    %dma_wait3A_130 = arith.constant 0 : i32
    %dma_wait3A_131 = arith.constant 0 : i32
    %dma_wait3A_132 = tpu.memref_slice %arg6[%dma_wait3A_118, %dma_wait3A_130, %dma_wait3A_131] : memref<10x64x128xf32, #tpu.memory_space<vmem>> -> memref<1x64x128xf32, #tpu.memory_space<vmem>>
    %dma_wait3A_133 = tpu.memref_squeeze %dma_wait3A_132 : memref<1x64x128xf32, #tpu.memory_space<vmem>> -> memref<64x128xf32, #tpu.memory_space<vmem>>
    tpu.wait_dma2 semaphore(%arg24 : memref<!tpu.dma_semaphore, #tpu.memory_space<semaphore_mem>>) src(%dma_wait3A_133 : memref<64x128xf32, #tpu.memory_space<vmem>>) dst(%dma_wait3A_129 : memref<64x128xf32, #tpu.memory_space<hbm>>)
    %dma_wait3A_134 = arith.constant 8 : i32
    %dma_wait3A_135 = arith.constant 0 : i32
    %dma_wait3A_136 = arith.constant 0 : i32
    %dma_wait3A_137 = arith.constant 0 : i32
    %dma_wait3A_138 = tpu.memref_slice %arg6[%dma_wait3A_134, %dma_wait3A_136, %dma_wait3A_137] : memref<10x64x128xf32, #tpu.memory_space<vmem>> -> memref<1x64x128xf32, #tpu.memory_space<vmem>>
    %dma_wait3A_139 = tpu.memref_squeeze %dma_wait3A_138 : memref<1x64x128xf32, #tpu.memory_space<vmem>> -> memref<64x128xf32, #tpu.memory_space<vmem>>
    %dma_wait3A_140 = arith.constant 0 : i32
    %dma_wait3A_141 = tpu.memref_slice %arg4[%dma_wait3A_135, %mul3A_2, %dma_wait3A_140] : memref<50x4096x128xf32, #tpu.memory_space<hbm>> -> memref<1x64x128xf32, #tpu.memory_space<hbm>>
    %dma_wait3A_142 = tpu.memref_squeeze %dma_wait3A_141 : memref<1x64x128xf32, #tpu.memory_space<hbm>> -> memref<64x128xf32, #tpu.memory_space<hbm>>
    %dma_wait3A_143 = arith.constant 0 : i32
    %dma_wait3A_144 = tpu.memref_slice %arg4[%dma_wait3A_135, %mul3A_2, %dma_wait3A_143] : memref<50x4096x128xf32, #tpu.memory_space<hbm>> -> memref<1x64x128xf32, #tpu.memory_space<hbm>>
    %dma_wait3A_145 = tpu.memref_squeeze %dma_wait3A_144 : memref<1x64x128xf32, #tpu.memory_space<hbm>> -> memref<64x128xf32, #tpu.memory_space<hbm>>
    %dma_wait3A_146 = arith.constant 0 : i32
    %dma_wait3A_147 = arith.constant 0 : i32
    %dma_wait3A_148 = tpu.memref_slice %arg6[%dma_wait3A_134, %dma_wait3A_146, %dma_wait3A_147] : memref<10x64x128xf32, #tpu.memory_space<vmem>> -> memref<1x64x128xf32, #tpu.memory_space<vmem>>
    %dma_wait3A_149 = tpu.memref_squeeze %dma_wait3A_148 : memref<1x64x128xf32, #tpu.memory_space<vmem>> -> memref<64x128xf32, #tpu.memory_space<vmem>>
    tpu.wait_dma2 semaphore(%arg25 : memref<!tpu.dma_semaphore, #tpu.memory_space<semaphore_mem>>) src(%dma_wait3A_149 : memref<64x128xf32, #tpu.memory_space<vmem>>) dst(%dma_wait3A_145 : memref<64x128xf32, #tpu.memory_space<hbm>>)
    %dma_wait3A_150 = arith.constant 9 : i32
    %dma_wait3A_151 = arith.constant 0 : i32
    %dma_wait3A_152 = arith.constant 0 : i32
    %dma_wait3A_153 = arith.constant 0 : i32
    %dma_wait3A_154 = tpu.memref_slice %arg6[%dma_wait3A_150, %dma_wait3A_152, %dma_wait3A_153] : memref<10x64x128xf32, #tpu.memory_space<vmem>> -> memref<1x64x128xf32, #tpu.memory_space<vmem>>
    %dma_wait3A_155 = tpu.memref_squeeze %dma_wait3A_154 : memref<1x64x128xf32, #tpu.memory_space<vmem>> -> memref<64x128xf32, #tpu.memory_space<vmem>>
    %dma_wait3A_156 = arith.constant 0 : i32
    %dma_wait3A_157 = tpu.memref_slice %arg4[%dma_wait3A_151, %mul3A_2, %dma_wait3A_156] : memref<50x4096x128xf32, #tpu.memory_space<hbm>> -> memref<1x64x128xf32, #tpu.memory_space<hbm>>
    %dma_wait3A_158 = tpu.memref_squeeze %dma_wait3A_157 : memref<1x64x128xf32, #tpu.memory_space<hbm>> -> memref<64x128xf32, #tpu.memory_space<hbm>>
    %dma_wait3A_159 = arith.constant 0 : i32
    %dma_wait3A_160 = tpu.memref_slice %arg4[%dma_wait3A_151, %mul3A_2, %dma_wait3A_159] : memref<50x4096x128xf32, #tpu.memory_space<hbm>> -> memref<1x64x128xf32, #tpu.memory_space<hbm>>
    %dma_wait3A_161 = tpu.memref_squeeze %dma_wait3A_160 : memref<1x64x128xf32, #tpu.memory_space<hbm>> -> memref<64x128xf32, #tpu.memory_space<hbm>>
    %dma_wait3A_162 = arith.constant 0 : i32
    %dma_wait3A_163 = arith.constant 0 : i32
    %dma_wait3A_164 = tpu.memref_slice %arg6[%dma_wait3A_150, %dma_wait3A_162, %dma_wait3A_163] : memref<10x64x128xf32, #tpu.memory_space<vmem>> -> memref<1x64x128xf32, #tpu.memory_space<vmem>>
    %dma_wait3A_165 = tpu.memref_squeeze %dma_wait3A_164 : memref<1x64x128xf32, #tpu.memory_space<vmem>> -> memref<64x128xf32, #tpu.memory_space<vmem>>
    tpu.wait_dma2 semaphore(%arg26 : memref<!tpu.dma_semaphore, #tpu.memory_space<semaphore_mem>>) src(%dma_wait3A_165 : memref<64x128xf32, #tpu.memory_space<vmem>>) dst(%dma_wait3A_161 : memref<64x128xf32, #tpu.memory_space<hbm>>)
    return
  }
}

</mosaic_0001>

<sc_bundles>
// kernel: _embed.3.cloned.1.call-start
scs
__scs_entry_jumppad:
0x0: {  	(pc) =	sbr.rel $0x88, $3  }
0x1: {  	(tag) =	ssettag $0x0;
	lr =	simm.s32 $0x1  }
0x2: {  	[smem:$0x3F9F] =	sst lr;
	_ =	strace $0xD0000000  }
0x3: {  	_ = 	snop  }
0x4: {  	_ = 	snop  }
0x5: {  	_ = 	snop  }
0x6: {  	_ = 	snop  }
0x7: {  	_ = 	snop  }
__scs_overlays_trampoline_lowered:
0x8: {  	[smem:$0x3FAE] =	sst s0  }
0x9: {  	[smem:$0x3FAF] =	sst s1  }
0xa: {  	[smem:$0x3FB0] =	sst s2  }
0xb: {  	[smem:$0x3FB1] =	sst s3  }
0xc: {  	[smem:$0x3FB2] =	sst s4  }
0xd: {  	[smem:$0x3FB3] =	sst s5  }
0xe: {  	[smem:$0x3FB4] =	sst s6  }
0xf: {  	[smem:$0x3FB5] =	sst s7  }
0x10: {  	[smem:$0x3FB6] =	sst s8  }
0x11: {  	[smem:$0x3FB7] =	sst s9;
	s0 =	simm.s32 @!p0 $0x0  }
0x12: {  	s1 =	sld [smem:$0x3F9D];
	s0 =	simm.s32 @p0 $0x1  }
0x13: {  	[smem:$0x3FB8] =	sst s0;
	s0 =	simm.s32 @!p1 $0x0  }
0x14: {  	s2 =	sld [smem:$0x3F9C];
	s0 =	simm.s32 @p1 $0x1  }
0x15: {  	[smem:$0x3FB9] =	sst s0;
	s0 =	simm.s32 @!p2 $0x0  }
0x16: {  	s3 =	sld [smem:$0x3FDB];
	s0 =	simm.s32 @p2 $0x1  }
0x17: {  	s4 =	simm.s32 $0x1BF5;
	[smem:$0x3FBB] =	sst s0  }
0x18: {  	s0 =	sld [smem:$0x3F9E];
	_ =	swait.ge [sflag:s4], $0x0  }
0x19: {  	s7 =	sld [smem:$0x3F9F]  }
0x1a: {  	s8 =	sadd.s32 $0xFFFFE003, lr  }
0x1b: {  	s9 =	sadd.s32 $0xFFFFFEF7, lr;
	s5 =	simm.s32 $0xFFFFFFFF;
	p2 =	slt.u32 s8, $0xFFFFF086  }
0x1c: {  	p1 =	slt.u32 s9, $0xF7A;
	s5 =	simm.s32 @!p2 $0x0  }
0x1d: {  	s5 =	simm.s32 @p1 $0x1;
	p0 =	seq.s32 s7, s2  }
0x1e: {  	s7 =	smul.u32 @!p0 $0xF7A, s2;
	p2 =	seq.s32 @!p0 s5, $0x0  }
0x1f: {  	s9 =	smul.u32 $0xF7A, s1;
	s8 =	simm.s32 @!p0 $0x1BF5;
	p2 =	por !p2, p0  }
0x20: {  	[sflag:s8] =	ssyncset.s32 @!p0 $0xFFFFF086;
	s6 =	sadd.s32 @!p0 s3, s7;
	s7 =	simm.s32 @!p0 $0x108  }
0x21: {  	s3 =	sadd.s32 s3, s9;
	s6 =	sadd.s32 @!p0 $0x88, s6;
	s7 =	simm.s32 @p2 $0x1082  }
0x22: {  	[simem:s7], [sflag:s8] =	dma.local @!p0 [hbm:s6], $0xF7A  }
0x23: {  	s9 =	sor.u32 $0xD0000000, s2;
	s6 =	simm.s32 $0x108;
	_ =	swait.ge @!p0 [sflag:s8], $0x0  }
0x24: {  	s3 =	sadd.s32 $0x88, s3;
	s6 =	simm.s32 @!p1 $0x1082;
	[sflag:s4] =	ssyncset.s32 $0xFFFFF086  }
0x25: {  	[simem:s6], [sflag:s4] =	dma.local [hbm:s3], $0xF7A  }
0x26: {  	[smem:$0x3F9F] =	sst s1;
	(tag) =	ssettag s2;
	_ =	strace s9  }
0x27: {  	s1 =	sld [smem:$0x3FAF]  }
0x28: {  	s2 =	sld [smem:$0x3FB0]  }
0x29: {  	s4 =	sld [smem:$0x3FB2]  }
0x2a: {  	p0 =	seq.s32 s5, $0x0;
	s5 =	sld [smem:$0x3FB3]  }
0x2b: {  	s6 =	sld [smem:$0x3FB4]  }
0x2c: {  	s7 =	sld [smem:$0x3FB5]  }
0x2d: {  	s3 =	simm.s32 $0x108;
	s8 =	sld [smem:$0x3FB6]  }
0x2e: {  	s3 =	simm.s32 @!p0 $0x1082;
	s9 =	sld [smem:$0x3FB7]  }
0x2f: {  	lr =	sadd.s32 s0, s3;
	s0 =	sld [smem:$0x3FAE]  }
0x30: {  	s3 =	sld [smem:$0x3FB1]  }
0x31: {  	[smem:$0x3FBA] =	sst s10  }
0x32: {  	s10 =	sld [smem:$0x3FB8];
	_ =	sdelay $0x3  }
0x33: {  	p0 =	seq.s32 s10, $0x1;
	s10 =	sld [smem:$0x3FBA];
	_ =	sdelay $0x3  }
0x34: {  	[smem:$0x3FBA] =	sst s10  }
0x35: {  	s10 =	sld [smem:$0x3FB9];
	_ =	sdelay $0x3  }
0x36: {  	p1 =	seq.s32 s10, $0x1;
	s10 =	sld [smem:$0x3FBA];
	_ =	sdelay $0x3  }
0x37: {  	[smem:$0x3FBA] =	sst s10  }
0x38: {  	s10 =	sld [smem:$0x3FBB]  }
0x39: {  	_ = 	snop;
	(pc) =	sbr.ind lr, $3  }
0x3a: {  	_ = 	snop  }
0x3b: {  	_ = 	snop  }
0x3c: {  	p2 =	seq.s32 s10, $0x1;
	s10 =	sld [smem:$0x3FBA]  }
0x3d: {  	_ =	shalt  }
0x3e: {  	_ =	shalt  }
0x3f: {  	_ =	shalt  }
0x40: {  	_ =	shalt  }
0x41: {  	_ =	shalt  }
0x42: {  	_ =	shalt  }
0x43: {  	_ =	shalt  }
0x44: {  	_ =	shalt  }
0x45: {  	_ =	shalt  }
0x46: {  	_ =	shalt  }
0x47: {  	_ =	shalt  }
0x48: {  	_ =	shalt  }
0x49: {  	_ =	shalt  }
0x4a: {  	_ =	shalt  }
0x4b: {  	_ =	shalt  }
0x4c: {  	_ =	shalt  }
0x4d: {  	_ =	shalt  }
0x4e: {  	_ =	shalt  }
0x4f: {  	_ =	shalt  }
0x50: {  	_ =	shalt  }
0x51: {  	_ =	shalt  }
0x52: {  	_ =	shalt  }
0x53: {  	_ =	shalt  }
0x54: {  	_ =	shalt  }
0x55: {  	_ =	shalt  }
0x56: {  	_ =	shalt  }
0x57: {  	_ =	shalt  }
0x58: {  	_ =	shalt  }
0x59: {  	_ =	shalt  }
0x5a: {  	_ =	shalt  }
0x5b: {  	_ =	shalt  }
0x5c: {  	_ =	shalt  }
0x5d: {  	_ =	shalt  }
0x5e: {  	_ =	shalt  }
0x5f: {  	_ =	shalt  }
0x60: {  	_ =	shalt  }
0x61: {  	_ =	shalt  }
0x62: {  	_ =	shalt  }
0x63: {  	_ =	shalt  }
0x64: {  	_ =	shalt  }
0x65: {  	_ =	shalt  }
0x66: {  	_ =	shalt  }
0x67: {  	_ =	shalt  }
0x68: {  	_ =	shalt  }
0x69: {  	_ =	shalt  }
0x6a: {  	_ =	shalt  }
0x6b: {  	_ =	shalt  }
0x6c: {  	_ =	shalt  }
0x6d: {  	_ =	shalt  }
0x6e: {  	_ =	shalt  }
0x6f: {  	_ =	shalt  }
0x70: {  	_ =	shalt  }
0x71: {  	_ =	shalt  }
0x72: {  	_ =	shalt  }
0x73: {  	_ =	shalt  }
0x74: {  	_ =	shalt  }
0x75: {  	_ =	shalt  }
0x76: {  	_ =	shalt  }
0x77: {  	_ =	shalt  }
0x78: {  	_ =	shalt  }
0x79: {  	_ =	shalt  }
0x7a: {  	_ =	shalt  }
0x7b: {  	_ =	shalt  }
0x7c: {  	_ =	shalt  }
0x7d: {  	_ =	shalt  }
0x7e: {  	_ =	shalt  }
0x7f: {  	_ =	shalt  }
0x80: {  	_ =	shalt  }
0x81: {  	_ =	shalt  }
0x82: {  	_ =	shalt  }
0x83: {  	_ =	shalt  }
0x84: {  	_ =	shalt  }
0x85: {  	_ =	shalt  }
0x86: {  	_ =	shalt  }
0x87: {  	_ =	shalt  }
.Lfunc_end0:
.L_simem_size_0:
called_computation_lowered:
.L_overlay_start_0:
0x88: {  	s2 =	sld [smem:$0x3FD9]  }
0x89: {  	s3 =	sld [smem:$0x3FFE];
	_ =	sdelay $0x1  }
0x8a: {  	s1 =	srdreg.scid  }
0x8b: {  	s0 =	sand.u32 $0x1, s1  }
0x8c: {  	s17 =	sshll.u32 s0, $0xA;
	s2 =	sadd.s32 s3, s2  }
0x8d: {  	s2 =	sadd.s32 s2, s17  }
0x8e: {  	[smem:$0x3FC6] =	sst s2  }
0x8f: {  	_ = 	snop  }
0x90: {  	s2 =	sld [smem:$0x3FC8]  }
0x91: {  	s18 =	sld [smem:$0x3FD0];
	(tm) =	ssettm $0x1  }
0x92: {  	s4 =	sld [smem:$0x3FFB];
	_ =	sdelay $0x3  }
0x93: {  	_ =	strace s4  }
0x94: {  	s4 =	sld [smem:$0x3FFC];
	_ =	sdelay $0x3  }
0x95: {  	_ =	strace s4  }
0x96: {  	s4 =	sld [smem:$0x3FFD];
	_ =	sdelay $0x3  }
0x97: {  	_ =	strace s4  }
0x98: {  	_ =	strace $0x8FFFFFFF  }
0x99: {  	s19 =	sld [smem:$0x3FDB];
	_ =	sdelay $0x1  }
0x9a: {  	s5 =	simm.s32 $_scs_section_size  }
0x9b: {  	s6 =	simm.s32 $_size__tile_overlayer_lowered;
	s7 =	simm.s32 $_tile_overlayer_lowered  }
0x9c: {  	s22 =	simm.s32 $0x1BFF;
	s21 =	sshll.u32 s7, $0x1;
	s4 =	sadd.s32 s5, s19  }
0x9d: {  	s8 =	simm.s32 $0x0;
	s20 =	sshll.u32 s6, $0x1;
	s6 =	sadd.s32 s21, s4  }
0x9e: {  	[timem:s8], [sflag:s22] =	dma.local [hbm:s6], s20  }
0x9f: {  	_ =	swait.ge [sflag:s22], s20  }
0xa0: {  	s5 =	ssub.s32 $0x0, s20;
	[sflag:s22] =	ssyncset.done $0x0  }
0xa1: {  	[sflag:s22] =	ssyncadd.s32 s5;
	_ =	sdelay $0x1  }
0xa2: {  	s23 =	simm.s32 $0x1B8B  }
0xa3: {  	_ =	swait.ge [sflag:s23], $0x1  }
0xa4: {  	[sflag:s23] =	ssyncset.done $0x0  }
0xa5: {  	s25 =	simm.s32 $0x1B8E;
	s24 =	sld [smem:$0x3FFE];
	[sflag:s23] =	ssyncadd.s32 $0xFFFFFFFF  }
0xa6: {  	s26 =	simm.s32 $execute0_lowered;
	[smem:$0x3FD2] =	sst s25  }
0xa7: {  	s6 =	sshll.u32 s26, $0x1;
	_ =	strace $0x80000046;
	[dreg:$0x1] =	wrdreg $0xFFFFFFFF  }
0xa8: {  	s28 =	simm.s32 $_size_execute0_lowered;
	s4 =	sadd.s32 s4, s6;
	[dreg:$0x0] =	wrdreg $0x0  }
0xa9: {  	s6 =	sshll.u32 s28, $0x1;
	[dreg:$0x2] =	wrdreg s4  }
0xaa: {  	[dreg:$0x3] =	wrdreg s6  }
0xab: {  	[dreg:$0x4] =	wrdreg $0xC0  }
0xac: {  	_ =	task [dreg:s8], $0x5FFFF  }
0xad: {  	[dreg:$0x1] =	wrdreg $0xFFFFFFFF  }
0xae: {  	[dreg:$0x0] =	wrdreg $0x60  }
0xaf: {  	[dreg:$0x2] =	wrdreg s24  }
0xb0: {  	[dreg:$0x3] =	wrdreg s2  }
0xb1: {  	[dreg:$0x4] =	wrdreg s18  }
0xb2: {  	[dreg:$0x5] =	wrdreg $0x9  }
0xb3: {  	_ =	task.clear_ibuf [dreg:s8], $0x6FFFF;
	_ =	strace $0x90000046  }
0xb4: {  	s29 =	simm.s32 $0x9;
	_ =	strace $0x80000048  }
0xb5: {  	_ =	swait.ge [sflag:s29], $0x1  }
0xb6: {  	[sflag:s29] =	ssyncadd.s32 $0xFFFFFFFF  }
0xb7: {  	_ =	strace $0x90000048  }
0xb8: {  	_ =	sfence  }
0xb9: {  	s30 =	sld [smem:$0x0];
	_ =	sdelay $0x2  }
0xba: {  	s31 =	sshll.u32 s1, $0xD;
	s1 =	sshrl.u32 s1, $0x2  }
0xbb: {  	s3 =	sand.u32 $0x4000, s31;
	s1 =	sadd.s32 s1, s30  }
0xbc: {  	s0 =	sor.u32 s3, s0;
	s1 =	sshll.u32 s1, $0x11  }
0xbd: {  	s0 =	sor.u32 s1, s0  }
0xbe: {  	s0 =	sadd.s32 $0x8F2B, s0  }
0xbf: {  	[sflag:s0] =	ssyncadd.remote.s32 $0x1  }
0xc0: {  	_ =	sfence.sel $0xFFFF  }
0xc1: {  	[dreg:$0x0] =	wrdreg $0xFFFFFFFF;
	(pc) =	sbr.abs _section_cstart, $3  }
0xc2: {  	[dreg:$0x1] =	wrdreg $0xFFFFFFFF  }
0xc3: {  	_ =	task.clear_ibuf [dreg:s8], $0x2FFFF;
	_ =	strace $0x9FFFFFFF  }
0xc4: {  	(tm) =	ssettm $0x7FFFFFFF  }
0xc5: {  	_ =	shalt  }
tec
execute0_lowered:
.L_overlay_start_1:
0x0: {  	(tag) =	ssettag $0x1  }
0x1: {  	s0 =	rddreg [dreg:$0x0];
	s1 =	srdreg.scid  }
0x2: {  	s8 =	stileid.u32;
	s2 =	rddreg [dreg:$0x1]  }
0x3: {  	s5 =	rddreg [dreg:$0x2];
	s11 =	simm.s32 $0x40;
	s20 =	simm.s32 $0x1C00  }
0x4: {  	s13 =	simm.s32 $0x3C00;
	s15 =	simm.s32 $0x5C00;
	s17 =	simm.s32 $0x7C00  }
0x5: {  	s19 =	simm.s32 $0x9C00;
	s21 =	simm.s32 $0xBC00;
	s22 =	simm.s32 $0xDC00  }
0x6: {  	s23 =	simm.s32 $0xFC00;
	s24 =	simm.s32 $0x11C00;
	s31 =	simm.s32 $0x2  }
0x7: {  	s10 =	simm.s32 $0x7;
	s14 =	simm.s32 $0x8;
	s16 =	simm.s32 $0x9  }
0x8: {  	s18 =	simm.s32 $0xA;
	s12 =	simm.s32 $0x0;
	s30 =	simm.s32 $0x13C00  }
0x9: {  	s1 =	sand.u32 $0x1, s1;
	s3 =	sshll.u32 s8, $0x1;
	s8 =	sshll.u32 s8, $0xF  }
0xa: {  	s4 =	sor.u32 s1, s3;
	s3 =	simm.s32 $0x0;
	s7 =	ssub.s32 $0x2, s1  }
0xb: {  	s1 =	sshll.u32 s1, $0xE;
	s6 =	smul.u32 $0x380, s4;
	[smem:$0x7FF] =	sst s3  }
0xc: {  	s26 =	sshrl.u32 s7, $0x1;
	s4 =	sshll.u32 s4, $0xB;
	s1 =	sor.u32 s1, s8  }
0xd: {  	_ =	strace $0x80000047;
	s7 =	ssub.s32 s7, s26;
	s4 =	sadd.s32 s5, s4  }
0xe: {  	s28 =	sor.u32 $0x2000, s1;
	s1 =	sshrl.u32 s1, $0x3;
	s0 =	sadd.s32 s6, s0  }
.Ltmp0:
0xf: {  	s6 =	sadd.s32 $0x400, s4;
	s7 =	smax.u32 s7, $0x1;
	(pc) =	sbr.rel .LBB2_1-.Ltmp0, $4  }
0x10: {  	s29 =	sadd.s32 s1, s5;
	s0 =	sadd.s32 $0x400, s0;
	[dreg:$0x5] =	wrdreg s7  }
0x11: {  	s1 =	simm.s32 $0x3;
	[dreg:$0x4] =	wrdreg s0;
	s0 =	sshrl.u32 s28, $0x3  }
0x12: {  	[dreg:$0x7] =	wrdreg s29;
	s7 =	simm.s32 $0x6;
	s0 =	sadd.s32 s0, s5  }
0x13: {  	s5 =	simm.s32 $0x5;
	[dreg:$0x6] =	wrdreg s0;
	s0 =	simm.s32 $0x4  }
.LBB2_6:
0x14: {  	s8 =	simm.s32 $0xB  }
0x15: {  	_ =	swait.ge [sflag:s8], $0x2000  }
0x16: {  	[sflag:s8] =	ssyncset.done $0x0  }
0x17: {  	s26 =	simm.s32 $0xC;
	[sflag:s8] =	ssyncadd.s32 $0xFFFFE000  }
0x18: {  	_ =	swait.ge [sflag:s26], $0x2000  }
0x19: {  	[sflag:s26] =	ssyncset.done $0x0  }
0x1a: {  	s28 =	simm.s32 $0xD;
	[sflag:s26] =	ssyncadd.s32 $0xFFFFE000  }
0x1b: {  	_ =	swait.ge [sflag:s28], $0x2000  }
0x1c: {  	[sflag:s28] =	ssyncset.done $0x0  }
0x1d: {  	s29 =	simm.s32 $0xE;
	[sflag:s28] =	ssyncadd.s32 $0xFFFFE000  }
0x1e: {  	_ =	swait.ge [sflag:s29], $0x2000  }
0x1f: {  	[sflag:s29] =	ssyncset.done $0x0  }
0x20: {  	s9 =	simm.s32 $0xF;
	[sflag:s29] =	ssyncadd.s32 $0xFFFFE000  }
0x21: {  	_ =	swait.ge [sflag:s9], $0x2000  }
0x22: {  	[sflag:s9] =	ssyncset.done $0x0  }
0x23: {  	s12 =	simm.s32 $0x10;
	[sflag:s9] =	ssyncadd.s32 $0xFFFFE000  }
0x24: {  	_ =	swait.ge [sflag:s12], $0x2000  }
0x25: {  	[sflag:s12] =	ssyncset.done $0x0  }
0x26: {  	s25 =	simm.s32 $0x11;
	[sflag:s12] =	ssyncadd.s32 $0xFFFFE000  }
0x27: {  	_ =	swait.ge [sflag:s25], $0x2000  }
0x28: {  	[sflag:s25] =	ssyncset.done $0x0  }
0x29: {  	s26 =	simm.s32 $0x12;
	[sflag:s25] =	ssyncadd.s32 $0xFFFFE000  }
0x2a: {  	_ =	swait.ge [sflag:s26], $0x2000  }
0x2b: {  	[sflag:s26] =	ssyncset.done $0x0  }
0x2c: {  	s28 =	simm.s32 $0x13;
	[sflag:s26] =	ssyncadd.s32 $0xFFFFE000  }
0x2d: {  	_ =	swait.ge [sflag:s28], $0x2000  }
0x2e: {  	[sflag:s28] =	ssyncset.done $0x0  }
0x2f: {  	s9 =	simm.s32 $0x14;
	[sflag:s28] =	ssyncadd.s32 $0xFFFFE000  }
0x30: {  	_ =	swait.ge [sflag:s9], $0x2000  }
0x31: {  	s12 =	rddreg [dreg:$0x8]  }
0x32: {  	s29 =	rddreg [dreg:$0x5];
	s12 =	sadd.s32 $0x1, s12  }
0x33: {  	p0 =	sne.s32 s12, s29  }
.Ltmp1:
0x34: {  	_ = 	snop;
	(pc) =	sbr.rel @!p0 .LBB2_7-.Ltmp1, $3  }
0x35: {  	_ =	sdelay $0x1  }
0x36: {  	[sflag:s9] =	ssyncset.done $0x0  }
0x37: {  	[sflag:s9] =	ssyncadd.s32 $0xFFFFE000  }
.LBB2_1:
0x38: {  	[dreg:$0x8] =	wrdreg s12  }
.Ltmp2:
0x39: {  	s8 =	rddreg [dreg:$0x4];
	s29 =	simm.s32 $0x15;
	(pc) =	sbr.rel .LBB2_2-.Ltmp2, $4  }
0x3a: {  	[tilespmem:s3], [sflag:$0x15] =	stream.linear.gather [hbm4b:s8+s3], $0x1900, $0x38;
	[tilespmem:$0x15C00] =	vst v63  }
0x3b: {  	_ =	swait.ge [sflag:s29], $0x1900  }
0x3c: {  	[sflag:s29] =	ssyncset.done $0x0  }
0x3d: {  	s12 =	simm.s32 $0x800;
	s26 =	simm.s32 $0x0;
	[sflag:s29] =	ssyncadd.s32 $0xFFFFE700  }
.LBB2_4:
0x3e: {  	s9 =	simm.s32 $0xB  }
0x3f: {  	_ =	swait.ge [sflag:s9], $0x2000  }
0x40: {  	s8 =	sshra.s32 s12, $0x2;
	[sflag:s9] =	ssyncset.done $0x0  }
0x41: {  	s25 =	sadd.s32 $0xFFFFFE00, s8;
	[sflag:s9] =	ssyncadd.s32 $0xFFFFE000  }
0x42: {  	[tilespmem:s20], [sflag:$0x1] =	stream.indirect.gather [hbm4b:s2+s11], $0x80, s25, s11, $0xb8;
	[tilespmem:$0x15C00] =	vst v63  }
0x43: {  	s25 =	simm.s32 $0xC  }
0x44: {  	_ =	swait.ge [sflag:s25], $0x2000  }
0x45: {  	[sflag:s25] =	ssyncset.done $0x0  }
0x46: {  	s20 =	sadd.s32 $0xFFFFFE40, s8;
	[sflag:s25] =	ssyncadd.s32 $0xFFFFE000;
	s25 =	simm.s32 $0xD  }
0x47: {  	[tilespmem:s13], [sflag:$0x2] =	stream.indirect.gather [hbm4b:s2+s11], $0x80, s20, s11, $0xb8;
	[tilespmem:$0x15C00] =	vst v63  }
0x48: {  	_ =	swait.ge [sflag:s25], $0x2000  }
0x49: {  	[sflag:s25] =	ssyncset.done $0x0  }
0x4a: {  	s13 =	sadd.s32 $0xFFFFFE80, s8;
	[sflag:s25] =	ssyncadd.s32 $0xFFFFE000  }
0x4b: {  	[tilespmem:s15], [sflag:$0x3] =	stream.indirect.gather [hbm4b:s2+s11], $0x80, s13, s11, $0xb8;
	[tilespmem:$0x15C00] =	vst v63  }
0x4c: {  	s15 =	simm.s32 $0xE  }
0x4d: {  	_ =	swait.ge [sflag:s15], $0x2000  }
0x4e: {  	[sflag:s15] =	ssyncset.done $0x0  }
0x4f: {  	s20 =	sadd.s32 $0xFFFFFEC0, s8;
	s25 =	simm.s32 $0xF;
	[sflag:s15] =	ssyncadd.s32 $0xFFFFE000  }
0x50: {  	[tilespmem:s17], [sflag:$0x4] =	stream.indirect.gather [hbm4b:s2+s11], $0x80, s20, s11, $0xb8;
	[tilespmem:$0x15C00] =	vst v63  }
0x51: {  	_ =	swait.ge [sflag:s25], $0x2000  }
0x52: {  	[sflag:s25] =	ssyncset.done $0x0  }
0x53: {  	s13 =	sadd.s32 $0xFFFFFF00, s8;
	s15 =	simm.s32 $0x10;
	[sflag:s25] =	ssyncadd.s32 $0xFFFFE000  }
0x54: {  	[tilespmem:s19], [sflag:$0x5] =	stream.indirect.gather [hbm4b:s2+s11], $0x80, s13, s11, $0xb8;
	[tilespmem:$0x15C00] =	vst v63  }
0x55: {  	_ =	swait.ge [sflag:s15], $0x2000  }
0x56: {  	[sflag:s15] =	ssyncset.done $0x0  }
0x57: {  	s17 =	sadd.s32 $0xFFFFFF40, s8;
	s19 =	simm.s32 $0x11;
	[sflag:s15] =	ssyncadd.s32 $0xFFFFE000  }
0x58: {  	[tilespmem:s21], [sflag:$0x6] =	stream.indirect.gather [hbm4b:s2+s11], $0x80, s17, s11, $0xb8;
	[tilespmem:$0x15C00] =	vst v63  }
0x59: {  	_ =	swait.ge [sflag:s19], $0x2000  }
0x5a: {  	[sflag:s19] =	ssyncset.done $0x0  }
0x5b: {  	s20 =	sadd.s32 $0xFFFFFF80, s8;
	s21 =	simm.s32 $0x12;
	[sflag:s19] =	ssyncadd.s32 $0xFFFFE000  }
0x5c: {  	[tilespmem:s22], [sflag:$0x7] =	stream.indirect.gather [hbm4b:s2+s11], $0x80, s20, s11, $0xb8;
	[tilespmem:$0x15C00] =	vst v63  }
0x5d: {  	_ =	swait.ge [sflag:s21], $0x2000  }
0x5e: {  	[sflag:s21] =	ssyncset.done $0x0  }
0x5f: {  	s28 =	simm.s32 $0xFC00;
	s22 =	sadd.s32 $0xFFFFFFC0, s8;
	[sflag:s21] =	ssyncadd.s32 $0xFFFFE000  }
0x60: {  	[tilespmem:s23], [sflag:$0x8] =	stream.indirect.gather [hbm4b:s2+s11], $0x80, s22, s11, $0xb8;
	[tilespmem:$0x15C00] =	vst v63  }
0x61: {  	s29 =	simm.s32 $0x11C00;
	s9 =	sadd.s32 $0x10000, s26;
	s23 =	simm.s32 $0x13  }
0x62: {  	s25 =	simm.s32 $0x14;
	s13 =	simm.s32 $0x1C00;
	_ =	swait.ge [sflag:s23], $0x2000  }
0x63: {  	s15 =	simm.s32 $0x3C00;
	s17 =	simm.s32 $0x5C00;
	[sflag:s23] =	ssyncset.done $0x0  }
0x64: {  	s19 =	simm.s32 $0x7C00;
	s20 =	sadd.s32 $0x40000, s26;
	[sflag:s23] =	ssyncadd.s32 $0xFFFFE000  }
0x65: {  	[tilespmem:s24], [sflag:$0x9] =	stream.indirect.gather [hbm4b:s2+s11], $0x80, s8, s11, $0xb8;
	[tilespmem:$0x15C00] =	vst v63  }
0x66: {  	s21 =	simm.s32 $0x9C00;
	s22 =	sadd.s32 $0x30000, s26;
	_ =	swait.ge [sflag:s25], $0x2000  }
0x67: {  	s23 =	simm.s32 $0xBC00;
	s8 =	sadd.s32 $0x20000, s26;
	[sflag:s25] =	ssyncset.done $0x0  }
0x68: {  	s24 =	smov.u32 s12;
	[sflag:s25] =	ssyncadd.s32 $0xFFFFE000;
	s25 =	simm.s32 $0xDC00  }
.LBB2_5:
0x69: {  	s24 =	sshra.s32 s24, $0x2  }
0x6a: {  	s24 =	sadd.s32 $0x40, s24  }
0x6b: {  	[tilespmem:s30], [sflag:$0xA] =	stream.indirect.gather [hbm4b:s2+s11], $0x80, s24, s11, $0xb8;
	[tilespmem:$0x15C00] =	vst v63  }
0x6c: {  	s24 =	simm.s32 $0x1  }
0x6d: {  	_ =	swait.ge [sflag:s24], $0x2000  }
0x6e: {  	[sflag:s24] =	ssyncset.done $0x0  }
0x6f: {  	[sflag:s24] =	ssyncadd.s32 $0xFFFFE000;
	s24 =	rddreg [dreg:$0x7]  }
0x70: {  	s24 =	sadd.s32 s26, s24  }
0x71: {  	[hbm4b:s24+s3] =	stream.linear.scatter [tilespmem:s13], [sflag:$0xB], $0x2000, $0x38;
	[tilespmem:$0x15C00] =	vst v63  }
0x72: {  	_ =	swait.ge [sflag:s31], $0x2000  }
0x73: {  	[sflag:s31] =	ssyncset.done $0x0;
	s13 =	rddreg [dreg:$0x6]  }
0x74: {  	[sflag:s31] =	ssyncadd.s32 $0xFFFFE000;
	s24 =	sadd.s32 s26, s13  }
0x75: {  	[hbm4b:s24+s3] =	stream.linear.scatter [tilespmem:s15], [sflag:$0xC], $0x2000, $0x38;
	[tilespmem:$0x15C00] =	vst v63  }
0x76: {  	_ =	swait.ge [sflag:s1], $0x2000  }
0x77: {  	[sflag:s1] =	ssyncset.done $0x0  }
0x78: {  	s15 =	sadd.s32 s9, s4;
	[sflag:s1] =	ssyncadd.s32 $0xFFFFE000  }
0x79: {  	[hbm4b:s15+s3] =	stream.linear.scatter [tilespmem:s17], [sflag:$0xD], $0x2000, $0x38;
	[tilespmem:$0x15C00] =	vst v63  }
0x7a: {  	_ =	swait.ge [sflag:s0], $0x2000  }
0x7b: {  	[sflag:s0] =	ssyncset.done $0x0  }
0x7c: {  	s17 =	sadd.s32 s9, s6;
	[sflag:s0] =	ssyncadd.s32 $0xFFFFE000  }
0x7d: {  	[hbm4b:s17+s3] =	stream.linear.scatter [tilespmem:s19], [sflag:$0xE], $0x2000, $0x38;
	[tilespmem:$0x15C00] =	vst v63  }
0x7e: {  	_ =	swait.ge [sflag:s5], $0x2000  }
0x7f: {  	[sflag:s5] =	ssyncset.done $0x0  }
0x80: {  	s19 =	sadd.s32 s8, s4;
	[sflag:s5] =	ssyncadd.s32 $0xFFFFE000  }
0x81: {  	[hbm4b:s19+s3] =	stream.linear.scatter [tilespmem:s21], [sflag:$0xF], $0x2000, $0x38;
	[tilespmem:$0x15C00] =	vst v63  }
0x82: {  	_ =	swait.ge [sflag:s7], $0x2000  }
0x83: {  	[sflag:s7] =	ssyncset.done $0x0  }
0x84: {  	s21 =	sadd.s32 s8, s6;
	[sflag:s7] =	ssyncadd.s32 $0xFFFFE000  }
0x85: {  	[hbm4b:s21+s3] =	stream.linear.scatter [tilespmem:s23], [sflag:$0x10], $0x2000, $0x38;
	[tilespmem:$0x15C00] =	vst v63  }
0x86: {  	_ =	swait.ge [sflag:s10], $0x2000  }
0x87: {  	[sflag:s10] =	ssyncset.done $0x0  }
0x88: {  	s24 =	sadd.s32 s22, s4;
	[sflag:s10] =	ssyncadd.s32 $0xFFFFE000  }
0x89: {  	[hbm4b:s24+s3] =	stream.linear.scatter [tilespmem:s25], [sflag:$0x11], $0x2000, $0x38;
	[tilespmem:$0x15C00] =	vst v63  }
0x8a: {  	_ =	swait.ge [sflag:s14], $0x2000  }
0x8b: {  	[sflag:s14] =	ssyncset.done $0x0  }
0x8c: {  	s12 =	sadd.s32 $0xA00, s12;
	s25 =	sadd.s32 s22, s6;
	[sflag:s14] =	ssyncadd.s32 $0xFFFFE000  }
0x8d: {  	[hbm4b:s25+s3] =	stream.linear.scatter [tilespmem:s28], [sflag:$0x12], $0x2000, $0x38;
	[tilespmem:$0x15C00] =	vst v63  }
0x8e: {  	p0 =	sne.s32 s12, $0x6C00;
	_ =	swait.ge [sflag:s16], $0x2000  }
0x8f: {  	s26 =	sadd.s32 $0x50000, s26;
	s13 =	simm.s32 $0x3C00;
	[sflag:s16] =	ssyncset.done $0x0  }
0x90: {  	s15 =	simm.s32 $0x5C00;
	s28 =	sadd.s32 s20, s4;
	[sflag:s16] =	ssyncadd.s32 $0xFFFFE000  }
0x91: {  	[hbm4b:s28+s3] =	stream.linear.scatter [tilespmem:s29], [sflag:$0x13], $0x2000, $0x38;
	[tilespmem:$0x15C00] =	vst v63  }
.Ltmp3:
0x92: {  	s17 =	simm.s32 $0x7C00;
	s19 =	simm.s32 $0x9C00;
	(pc) =	sbr.rel @!p0 .LBB2_6-.Ltmp3, $4  }
0x93: {  	s21 =	simm.s32 $0xBC00;
	s23 =	simm.s32 $0xFC00;
	_ =	swait.ge [sflag:s18], $0x2000  }
0x94: {  	s22 =	simm.s32 $0xDC00;
	s24 =	simm.s32 $0x11C00;
	[sflag:s18] =	ssyncset.done $0x0  }
0x95: {  	s29 =	sadd.s32 s20, s6;
	s20 =	simm.s32 $0x1C00;
	[sflag:s18] =	ssyncadd.s32 $0xFFFFE000  }
0x96: {  	[hbm4b:s29+s3] =	stream.linear.scatter [tilespmem:s30], [sflag:$0x14], $0x2000, $0x38;
	[tilespmem:$0x15C00] =	vst v63  }
.LBB2_2:
0x97: {  	p0 =	sne.s32 s12, $0x800  }
.Ltmp4:
0x98: {  	_ = 	snop;
	(pc) =	sbr.rel @p0 .LBB2_4-.Ltmp4, $1  }
0x99: {  	_ =	sdelay $0x3  }
0x9a: {  	[tilespmem:s20], [sflag:$0x1] =	stream.indirect.gather [hbm4b:s2+s11], $0x80, s3, s11, $0xb8;
	[tilespmem:$0x15C00] =	vst v63  }
0x9b: {  	_ = 	snop  }
0x9c: {  	[tilespmem:s13], [sflag:$0x2] =	stream.indirect.gather [hbm4b:s2+s11], $0x80, s11, s11, $0xb8;
	[tilespmem:$0x15C00] =	vst v63  }
0x9d: {  	s8 =	simm.s32 $0x80  }
0x9e: {  	[tilespmem:s15], [sflag:$0x3] =	stream.indirect.gather [hbm4b:s2+s11], $0x80, s8, s11, $0xb8;
	[tilespmem:$0x15C00] =	vst v63  }
0x9f: {  	s20 =	simm.s32 $0x140;
	s25 =	simm.s32 $0x200;
	s15 =	simm.s32 $0xC0  }
0xa0: {  	[tilespmem:s17], [sflag:$0x4] =	stream.indirect.gather [hbm4b:s2+s11], $0x80, s15, s11, $0xb8;
	[tilespmem:$0x15C00] =	vst v63  }
0xa1: {  	s9 =	simm.s32 $0x10000;
	s28 =	simm.s32 $0xFC00;
	s17 =	simm.s32 $0x100  }
0xa2: {  	[tilespmem:s19], [sflag:$0x5] =	stream.indirect.gather [hbm4b:s2+s11], $0x80, s17, s11, $0xb8;
	[tilespmem:$0x15C00] =	vst v63  }
0xa3: {  	s29 =	simm.s32 $0x11C00;
	s13 =	simm.s32 $0x1C00;
	s8 =	simm.s32 $0x20000  }
0xa4: {  	[tilespmem:s21], [sflag:$0x6] =	stream.indirect.gather [hbm4b:s2+s11], $0x80, s20, s11, $0xb8;
	[tilespmem:$0x15C00] =	vst v63  }
0xa5: {  	s15 =	simm.s32 $0x3C00;
	s19 =	simm.s32 $0x7C00;
	s21 =	simm.s32 $0x180  }
0xa6: {  	[tilespmem:s22], [sflag:$0x7] =	stream.indirect.gather [hbm4b:s2+s11], $0x80, s21, s11, $0xb8;
	[tilespmem:$0x15C00] =	vst v63  }
.Ltmp5:
0xa7: {  	s17 =	simm.s32 $0x5C00;
	s22 =	simm.s32 $0x1C0;
	(pc) =	sbr.rel .LBB2_5-.Ltmp5, $4  }
0xa8: {  	[tilespmem:s23], [sflag:$0x8] =	stream.indirect.gather [hbm4b:s2+s11], $0x80, s22, s11, $0xb8;
	[tilespmem:$0x15C00] =	vst v63  }
0xa9: {  	s20 =	simm.s32 $0x40000;
	s21 =	simm.s32 $0x9C00;
	s22 =	simm.s32 $0x30000  }
0xaa: {  	[tilespmem:s24], [sflag:$0x9] =	stream.indirect.gather [hbm4b:s2+s11], $0x80, s25, s11, $0xb8;
	[tilespmem:$0x15C00] =	vst v63  }
0xab: {  	s23 =	simm.s32 $0xBC00;
	s25 =	simm.s32 $0xDC00;
	s24 =	simm.s32 $0x800  }
.LBB2_7:
0xac: {  	_ =	sfence.sel $0x180000  }
0xad: {  	[bflag:$0x0] =	sbarrier.arrive $0xFFFF  }
0xae: {  	_ =	strace $0x90000047  }
0xaf: {  	s0 =	stileid.u32;
	[bflag:$0x2] =	sbarrier.arrive $0xFFFF  }
0xb0: {  	p0 =	sne.s32 s0, $0x0;
	s0 =	rddreg [dreg:$0x3]  }
0xb1: {  	s0 =	sadd.s32 @!p0 $0x100000, s0  }
0xb2: {  	[sflag:s0] =	ssyncadd.tile.s32 @!p0 $0x1;
	_ =	shalt  }
.Lfunc_end2:
_tile_overlayer_lowered:
.L_overlay_start_2:
0xb3: {  	(tag) =	ssettag $0x2  }
0xb4: {  	s0 =	rddreg [dreg:$0x0];
	s2 =	stileid.u32  }
0xb5: {  	s1 =	rddreg [dreg:$0x1];
	p0 =	sne.s32 s2, $0x0  }
0xb6: {  	s3 =	rddreg [dreg:$0x2];
	[bflag:$0x3] =	sbarrier.arrive $0xFFFF;
	s2 =	simm.s32 @!p0 $0x1C15  }
0xb7: {  	[timem:s3], [sflag:s2] =	dma.local @!p0 [hbm:s0], s1  }
0xb8: {  	s0 =	simm.s32 @!p0 $0x15  }
0xb9: {  	_ =	swait.ge @!p0 [sflag:s0], s1  }
0xba: {  	s1 =	ssub.s32 @!p0 $0x0, s1;
	[sflag:s0] =	ssyncset.done @!p0 $0x0  }
0xbb: {  	[sflag:s0] =	ssyncadd.s32 @!p0 s1  }
0xbc: {  	[bflag:$0x3] =	sbarrier.arrive $0xFFFF  }
0xbd: {  	_ =	shalt  }

</sc_bundles>
